<compile_context>
chip_gen: v7x
topology: tpu7x:2x2x1
jax: 0.10.2.dev20260603
libtpu: 0.0.44.dev20260713+nightly
codegen_flags: <defaults>
</compile_context>

<pallas_src>
import functools

import jax
import jax.numpy as jnp
from jax import lax
from jax.experimental import pallas as pl
from jax.experimental.pallas import tpu as pltpu
from jax.experimental.pallas import tpu_sc as plsc

VOCAB = 100000
EMBED_DIM = 64
BATCH = 4096
HIST = 50
N = BATCH * HIST

NUM_CORES = 2
NUM_SUBCORES = 16
NW = NUM_CORES * NUM_SUBCORES
B_PER_W = BATCH // NW
CHUNK = B_PER_W
NCHUNK = HIST
NBUF = 8

_mesh = plsc.VectorSubcoreMesh(core_axis_name="c", subcore_axis_name="s")


@functools.partial(
    pl.kernel,
    mesh=_mesh,
    out_type=jax.ShapeDtypeStruct((HIST, NW, B_PER_W, EMBED_DIM),
                                  jnp.float32),
    compiler_params=pltpu.CompilerParams(use_tc_tiling_on_sc=False),
    scratch_types=[
        pltpu.VMEM((NCHUNK, CHUNK), jnp.int32),
        pltpu.VMEM((NBUF, CHUNK, EMBED_DIM), jnp.float32),
    ] + [pltpu.SemaphoreType.DMA] * 16,
)
def _emb_lookup(x_hbm, table_hbm, out_hbm, idx_v, rows_v, *sems):
    wid = lax.axis_index("s") * NUM_CORES + lax.axis_index("c")

    pltpu.sync_copy(x_hbm.at[:, wid], idx_v)

    gsems = sems[:NBUF]
    wsems = sems[NBUF:]

    def gather(j, b):
        pltpu.async_copy(table_hbm.at[idx_v.at[j]], rows_v.at[b], gsems[b])

    for b in range(NBUF):
        gather(b, b)

    def chunk_body(j, _):
        for b in range(NBUF):
            @pl.when(j % NBUF == b)
            def _():
                pltpu.make_async_copy(
                    table_hbm.at[idx_v.at[0]], rows_v.at[b], gsems[b]
                ).wait()
                pltpu.async_copy(
                    rows_v.at[b], out_hbm.at[j, wid], wsems[b])

        @pl.when(j + NBUF < NCHUNK)
        def _():
            for b in range(NBUF):
                @pl.when(j % NBUF == b)
                def _():
                    pltpu.make_async_copy(
                        rows_v.at[b], out_hbm.at[0, wid], wsems[b]
                    ).wait()
                    gather(j + NBUF, b)
        return 0

    lax.fori_loop(0, NCHUNK, chunk_body, 0)

    for b in range(NBUF):
        pltpu.make_async_copy(
            rows_v.at[b], out_hbm.at[0, wid], wsems[b]
        ).wait()


def kernel(x, table):
    xt = x.T.astype(jnp.int32).reshape(HIST, NW, B_PER_W)
    out = _emb_lookup(xt, table)
    return out.reshape(HIST, BATCH, EMBED_DIM).transpose(1, 0, 2)

# --- scband reference (transcript-rebuilt; emitter-appended) ---
"""Pipeline reference for scband-embedding-layer-7584912245242 (READ-ONLY COPY).

The authoritative reference and input builder live on the scoring server;
editing this copy changes nothing except your own understanding.
"""

import jax, jax.numpy as jnp
import numpy as np

VOCAB = 100000
EMBED_DIM = 64
BATCH = 4096
HIST = 50

def setup_inputs(seed: int = 0) -> dict:
    key = jax.random.key(seed)
    k_idx, k_tab = jax.random.split(key)
    x = jax.random.randint(k_idx, (BATCH, HIST), 0, VOCAB, dtype=jnp.int64 if jax.config.jax_enable_x64 else jnp.int32)
    table = jax.random.normal(k_tab, (VOCAB, EMBED_DIM), dtype=jnp.float32)
    return {"x": x, "table": table}

def reference(x, table):
    # nn.Embedding forward: row gather from the embedding table
    return jnp.take(table, x, axis=0)

if __name__ == "__main__":
    import jax
    _d = setup_inputs()
    print(jax.jit(kernel)(*tuple(_d.values())))

</pallas_src>

<mosaic_0001>
#map = affine_map<(d0, d1) -> (0, 0, 0)>
#map1 = affine_map<(d0, d1) -> (0, 0)>
#map2 = affine_map<(d0, d1) -> (0, 0, 0, 0)>
module attributes {stable_mosaic.version = 14 : i64} {
  func.func @_emb_lookup(%arg0: i32, %arg1: i32, %arg2: memref<50x32x128xi32, #tpu.memory_space<hbm>>, %arg3: memref<100000x64xf32, #tpu.memory_space<hbm>>, %arg4: memref<50x32x128x64xf32, #tpu.memory_space<hbm>>, %arg5: memref<50x128xi32, #tpu.memory_space<vmem>>, %arg6: memref<8x128x64xf32, #tpu.memory_space<vmem>>, %arg7: memref<!tpu.dma_semaphore, #tpu.memory_space<semaphore_mem>>, %arg8: memref<!tpu.dma_semaphore, #tpu.memory_space<semaphore_mem>>, %arg9: memref<!tpu.dma_semaphore, #tpu.memory_space<semaphore_mem>>, %arg10: memref<!tpu.dma_semaphore, #tpu.memory_space<semaphore_mem>>, %arg11: memref<!tpu.dma_semaphore, #tpu.memory_space<semaphore_mem>>, %arg12: memref<!tpu.dma_semaphore, #tpu.memory_space<semaphore_mem>>, %arg13: memref<!tpu.dma_semaphore, #tpu.memory_space<semaphore_mem>>, %arg14: memref<!tpu.dma_semaphore, #tpu.memory_space<semaphore_mem>>, %arg15: memref<!tpu.dma_semaphore, #tpu.memory_space<semaphore_mem>>, %arg16: memref<!tpu.dma_semaphore, #tpu.memory_space<semaphore_mem>>, %arg17: memref<!tpu.dma_semaphore, #tpu.memory_space<semaphore_mem>>, %arg18: memref<!tpu.dma_semaphore, #tpu.memory_space<semaphore_mem>>, %arg19: memref<!tpu.dma_semaphore, #tpu.memory_space<semaphore_mem>>, %arg20: memref<!tpu.dma_semaphore, #tpu.memory_space<semaphore_mem>>, %arg21: memref<!tpu.dma_semaphore, #tpu.memory_space<semaphore_mem>>, %arg22: memref<!tpu.dma_semaphore, #tpu.memory_space<semaphore_mem>>) attributes {dimension_semantics = [#tpu.dimension_semantics<core_parallel>, #tpu.dimension_semantics<subcore_parallel>], iteration_bounds = array<i64: 2, 16>, scalar_prefetch = 0 : i64, scratch_operands = 18 : i64, tpu.core_type = #tpu.core_type<sc_vector_subcore>, window_params = [{transform_indices = #map}, {transform_indices = #map1}, {transform_indices = #map2}]} {
    %mul3A = arith.constant 2 : i32
    %mul3A_0 = arith.muli %arg1, %mul3A : i32
    %add3A = arith.addi %mul3A_0, %arg0 : i32
    "tpu.region"() ({
      %run_scoped3A = tpu.sem_alloc : memref<!tpu.dma_semaphore, #tpu.memory_space<semaphore_mem>>
      %dma_start3A_245 = arith.constant 0 : i32
      %dma_start3A_246 = arith.constant 0 : i32
      %dma_start3A_247 = tpu.memref_slice %arg2[%dma_start3A_245, %add3A, %dma_start3A_246] : memref<50x32x128xi32, #tpu.memory_space<hbm>> -> memref<50x1x128xi32, #tpu.memory_space<hbm>>
      %dma_start3A_248 = tpu.memref_squeeze %dma_start3A_247 : memref<50x1x128xi32, #tpu.memory_space<hbm>> -> memref<50x128xi32, #tpu.memory_space<hbm>>
      %dma_start3A_249 = arith.constant 0 : i32
      %dma_start3A_250 = arith.constant 0 : i32
      %dma_start3A_251 = tpu.memref_slice %arg2[%dma_start3A_249, %add3A, %dma_start3A_250] : memref<50x32x128xi32, #tpu.memory_space<hbm>> -> memref<50x1x128xi32, #tpu.memory_space<hbm>>
      %dma_start3A_252 = tpu.memref_squeeze %dma_start3A_251 : memref<50x1x128xi32, #tpu.memory_space<hbm>> -> memref<50x128xi32, #tpu.memory_space<hbm>>
      tpu.enqueue_dma source(%dma_start3A_252 : memref<50x128xi32, #tpu.memory_space<hbm>>) target(%arg5 : memref<50x128xi32, #tpu.memory_space<vmem>>) target_semaphore(%run_scoped3A : memref<!tpu.dma_semaphore, #tpu.memory_space<semaphore_mem>>)
      %dma_wait3A_253 = arith.constant 0 : i32
      %dma_wait3A_254 = arith.constant 0 : i32
      %dma_wait3A_255 = tpu.memref_slice %arg2[%dma_wait3A_253, %add3A, %dma_wait3A_254] : memref<50x32x128xi32, #tpu.memory_space<hbm>> -> memref<50x1x128xi32, #tpu.memory_space<hbm>>
      %dma_wait3A_256 = tpu.memref_squeeze %dma_wait3A_255 : memref<50x1x128xi32, #tpu.memory_space<hbm>> -> memref<50x128xi32, #tpu.memory_space<hbm>>
      %dma_wait3A_257 = arith.constant 0 : i32
      %dma_wait3A_258 = arith.constant 0 : i32
      %dma_wait3A_259 = tpu.memref_slice %arg2[%dma_wait3A_257, %add3A, %dma_wait3A_258] : memref<50x32x128xi32, #tpu.memory_space<hbm>> -> memref<50x1x128xi32, #tpu.memory_space<hbm>>
      %dma_wait3A_260 = tpu.memref_squeeze %dma_wait3A_259 : memref<50x1x128xi32, #tpu.memory_space<hbm>> -> memref<50x128xi32, #tpu.memory_space<hbm>>
      tpu.wait_dma2 semaphore(%run_scoped3A : memref<!tpu.dma_semaphore, #tpu.memory_space<semaphore_mem>>) src(%dma_wait3A_260 : memref<50x128xi32, #tpu.memory_space<hbm>>) dst(%arg5 : memref<50x128xi32, #tpu.memory_space<vmem>>)
      tpu.yield
    }) : () -> ()
    %dma_start3A = arith.constant 0 : i32
    %dma_start3A_1 = arith.constant 0 : i32
    %dma_start3A_2 = arith.constant 0 : i32
    %dma_start3A_3 = arith.constant 0 : i32
    %dma_start3A_4 = tpu.memref_slice %arg6[%dma_start3A_1, %dma_start3A_2, %dma_start3A_3] : memref<8x128x64xf32, #tpu.memory_space<vmem>> -> memref<1x128x64xf32, #tpu.memory_space<vmem>>
    %dma_start3A_5 = tpu.memref_squeeze %dma_start3A_4 : memref<1x128x64xf32, #tpu.memory_space<vmem>> -> memref<128x64xf32, #tpu.memory_space<vmem>>
    %dma_start3A_6 = arith.constant 0 : i32
    %dma_start3A_7 = tpu.memref_slice %arg5[%dma_start3A, %dma_start3A_6] : memref<50x128xi32, #tpu.memory_space<vmem>> -> memref<1x128xi32, #tpu.memory_space<vmem>>
    %dma_start3A_8 = tpu.memref_squeeze %dma_start3A_7 : memref<1x128xi32, #tpu.memory_space<vmem>> -> memref<128xi32, #tpu.memory_space<vmem>>
    %dma_start3A_9 = arith.constant 0 : i32
    %dma_start3A_10 = arith.constant 0 : i32
    %dma_start3A_11 = tpu.memref_slice %arg3[%dma_start3A_9, %dma_start3A_10] : memref<100000x64xf32, #tpu.memory_space<hbm>> -> memref<100000x64xf32, #tpu.memory_space<hbm>>
    tpu.enqueue_indirect_dma source(%dma_start3A_11 : memref<100000x64xf32, #tpu.memory_space<hbm>>) target(%dma_start3A_5 : memref<128x64xf32, #tpu.memory_space<vmem>>) offsets(%dma_start3A_8 : memref<128xi32, #tpu.memory_space<vmem>>) semaphore(%arg7 : memref<!tpu.dma_semaphore, #tpu.memory_space<semaphore_mem>>)
    %dma_start3A_12 = arith.constant 1 : i32
    %dma_start3A_13 = arith.constant 1 : i32
    %dma_start3A_14 = arith.constant 0 : i32
    %dma_start3A_15 = arith.constant 0 : i32
    %dma_start3A_16 = tpu.memref_slice %arg6[%dma_start3A_13, %dma_start3A_14, %dma_start3A_15] : memref<8x128x64xf32, #tpu.memory_space<vmem>> -> memref<1x128x64xf32, #tpu.memory_space<vmem>>
    %dma_start3A_17 = tpu.memref_squeeze %dma_start3A_16 : memref<1x128x64xf32, #tpu.memory_space<vmem>> -> memref<128x64xf32, #tpu.memory_space<vmem>>
    %dma_start3A_18 = arith.constant 0 : i32
    %dma_start3A_19 = tpu.memref_slice %arg5[%dma_start3A_12, %dma_start3A_18] : memref<50x128xi32, #tpu.memory_space<vmem>> -> memref<1x128xi32, #tpu.memory_space<vmem>>
    %dma_start3A_20 = tpu.memref_squeeze %dma_start3A_19 : memref<1x128xi32, #tpu.memory_space<vmem>> -> memref<128xi32, #tpu.memory_space<vmem>>
    %dma_start3A_21 = arith.constant 0 : i32
    %dma_start3A_22 = arith.constant 0 : i32
    %dma_start3A_23 = tpu.memref_slice %arg3[%dma_start3A_21, %dma_start3A_22] : memref<100000x64xf32, #tpu.memory_space<hbm>> -> memref<100000x64xf32, #tpu.memory_space<hbm>>
    tpu.enqueue_indirect_dma source(%dma_start3A_23 : memref<100000x64xf32, #tpu.memory_space<hbm>>) target(%dma_start3A_17 : memref<128x64xf32, #tpu.memory_space<vmem>>) offsets(%dma_start3A_20 : memref<128xi32, #tpu.memory_space<vmem>>) semaphore(%arg8 : memref<!tpu.dma_semaphore, #tpu.memory_space<semaphore_mem>>)
    %dma_start3A_24 = arith.constant 2 : i32
    %dma_start3A_25 = arith.constant 2 : i32
    %dma_start3A_26 = arith.constant 0 : i32
    %dma_start3A_27 = arith.constant 0 : i32
    %dma_start3A_28 = tpu.memref_slice %arg6[%dma_start3A_25, %dma_start3A_26, %dma_start3A_27] : memref<8x128x64xf32, #tpu.memory_space<vmem>> -> memref<1x128x64xf32, #tpu.memory_space<vmem>>
    %dma_start3A_29 = tpu.memref_squeeze %dma_start3A_28 : memref<1x128x64xf32, #tpu.memory_space<vmem>> -> memref<128x64xf32, #tpu.memory_space<vmem>>
    %dma_start3A_30 = arith.constant 0 : i32
    %dma_start3A_31 = tpu.memref_slice %arg5[%dma_start3A_24, %dma_start3A_30] : memref<50x128xi32, #tpu.memory_space<vmem>> -> memref<1x128xi32, #tpu.memory_space<vmem>>
    %dma_start3A_32 = tpu.memref_squeeze %dma_start3A_31 : memref<1x128xi32, #tpu.memory_space<vmem>> -> memref<128xi32, #tpu.memory_space<vmem>>
    %dma_start3A_33 = arith.constant 0 : i32
    %dma_start3A_34 = arith.constant 0 : i32
    %dma_start3A_35 = tpu.memref_slice %arg3[%dma_start3A_33, %dma_start3A_34] : memref<100000x64xf32, #tpu.memory_space<hbm>> -> memref<100000x64xf32, #tpu.memory_space<hbm>>
    tpu.enqueue_indirect_dma source(%dma_start3A_35 : memref<100000x64xf32, #tpu.memory_space<hbm>>) target(%dma_start3A_29 : memref<128x64xf32, #tpu.memory_space<vmem>>) offsets(%dma_start3A_32 : memref<128xi32, #tpu.memory_space<vmem>>) semaphore(%arg9 : memref<!tpu.dma_semaphore, #tpu.memory_space<semaphore_mem>>)
    %dma_start3A_36 = arith.constant 3 : i32
    %dma_start3A_37 = arith.constant 3 : i32
    %dma_start3A_38 = arith.constant 0 : i32
    %dma_start3A_39 = arith.constant 0 : i32
    %dma_start3A_40 = tpu.memref_slice %arg6[%dma_start3A_37, %dma_start3A_38, %dma_start3A_39] : memref<8x128x64xf32, #tpu.memory_space<vmem>> -> memref<1x128x64xf32, #tpu.memory_space<vmem>>
    %dma_start3A_41 = tpu.memref_squeeze %dma_start3A_40 : memref<1x128x64xf32, #tpu.memory_space<vmem>> -> memref<128x64xf32, #tpu.memory_space<vmem>>
    %dma_start3A_42 = arith.constant 0 : i32
    %dma_start3A_43 = tpu.memref_slice %arg5[%dma_start3A_36, %dma_start3A_42] : memref<50x128xi32, #tpu.memory_space<vmem>> -> memref<1x128xi32, #tpu.memory_space<vmem>>
    %dma_start3A_44 = tpu.memref_squeeze %dma_start3A_43 : memref<1x128xi32, #tpu.memory_space<vmem>> -> memref<128xi32, #tpu.memory_space<vmem>>
    %dma_start3A_45 = arith.constant 0 : i32
    %dma_start3A_46 = arith.constant 0 : i32
    %dma_start3A_47 = tpu.memref_slice %arg3[%dma_start3A_45, %dma_start3A_46] : memref<100000x64xf32, #tpu.memory_space<hbm>> -> memref<100000x64xf32, #tpu.memory_space<hbm>>
    tpu.enqueue_indirect_dma source(%dma_start3A_47 : memref<100000x64xf32, #tpu.memory_space<hbm>>) target(%dma_start3A_41 : memref<128x64xf32, #tpu.memory_space<vmem>>) offsets(%dma_start3A_44 : memref<128xi32, #tpu.memory_space<vmem>>) semaphore(%arg10 : memref<!tpu.dma_semaphore, #tpu.memory_space<semaphore_mem>>)
    %dma_start3A_48 = arith.constant 4 : i32
    %dma_start3A_49 = arith.constant 4 : i32
    %dma_start3A_50 = arith.constant 0 : i32
    %dma_start3A_51 = arith.constant 0 : i32
    %dma_start3A_52 = tpu.memref_slice %arg6[%dma_start3A_49, %dma_start3A_50, %dma_start3A_51] : memref<8x128x64xf32, #tpu.memory_space<vmem>> -> memref<1x128x64xf32, #tpu.memory_space<vmem>>
    %dma_start3A_53 = tpu.memref_squeeze %dma_start3A_52 : memref<1x128x64xf32, #tpu.memory_space<vmem>> -> memref<128x64xf32, #tpu.memory_space<vmem>>
    %dma_start3A_54 = arith.constant 0 : i32
    %dma_start3A_55 = tpu.memref_slice %arg5[%dma_start3A_48, %dma_start3A_54] : memref<50x128xi32, #tpu.memory_space<vmem>> -> memref<1x128xi32, #tpu.memory_space<vmem>>
    %dma_start3A_56 = tpu.memref_squeeze %dma_start3A_55 : memref<1x128xi32, #tpu.memory_space<vmem>> -> memref<128xi32, #tpu.memory_space<vmem>>
    %dma_start3A_57 = arith.constant 0 : i32
    %dma_start3A_58 = arith.constant 0 : i32
    %dma_start3A_59 = tpu.memref_slice %arg3[%dma_start3A_57, %dma_start3A_58] : memref<100000x64xf32, #tpu.memory_space<hbm>> -> memref<100000x64xf32, #tpu.memory_space<hbm>>
    tpu.enqueue_indirect_dma source(%dma_start3A_59 : memref<100000x64xf32, #tpu.memory_space<hbm>>) target(%dma_start3A_53 : memref<128x64xf32, #tpu.memory_space<vmem>>) offsets(%dma_start3A_56 : memref<128xi32, #tpu.memory_space<vmem>>) semaphore(%arg11 : memref<!tpu.dma_semaphore, #tpu.memory_space<semaphore_mem>>)
    %dma_start3A_60 = arith.constant 5 : i32
    %dma_start3A_61 = arith.constant 5 : i32
    %dma_start3A_62 = arith.constant 0 : i32
    %dma_start3A_63 = arith.constant 0 : i32
    %dma_start3A_64 = tpu.memref_slice %arg6[%dma_start3A_61, %dma_start3A_62, %dma_start3A_63] : memref<8x128x64xf32, #tpu.memory_space<vmem>> -> memref<1x128x64xf32, #tpu.memory_space<vmem>>
    %dma_start3A_65 = tpu.memref_squeeze %dma_start3A_64 : memref<1x128x64xf32, #tpu.memory_space<vmem>> -> memref<128x64xf32, #tpu.memory_space<vmem>>
    %dma_start3A_66 = arith.constant 0 : i32
    %dma_start3A_67 = tpu.memref_slice %arg5[%dma_start3A_60, %dma_start3A_66] : memref<50x128xi32, #tpu.memory_space<vmem>> -> memref<1x128xi32, #tpu.memory_space<vmem>>
    %dma_start3A_68 = tpu.memref_squeeze %dma_start3A_67 : memref<1x128xi32, #tpu.memory_space<vmem>> -> memref<128xi32, #tpu.memory_space<vmem>>
    %dma_start3A_69 = arith.constant 0 : i32
    %dma_start3A_70 = arith.constant 0 : i32
    %dma_start3A_71 = tpu.memref_slice %arg3[%dma_start3A_69, %dma_start3A_70] : memref<100000x64xf32, #tpu.memory_space<hbm>> -> memref<100000x64xf32, #tpu.memory_space<hbm>>
    tpu.enqueue_indirect_dma source(%dma_start3A_71 : memref<100000x64xf32, #tpu.memory_space<hbm>>) target(%dma_start3A_65 : memref<128x64xf32, #tpu.memory_space<vmem>>) offsets(%dma_start3A_68 : memref<128xi32, #tpu.memory_space<vmem>>) semaphore(%arg12 : memref<!tpu.dma_semaphore, #tpu.memory_space<semaphore_mem>>)
    %dma_start3A_72 = arith.constant 6 : i32
    %dma_start3A_73 = arith.constant 6 : i32
    %dma_start3A_74 = arith.constant 0 : i32
    %dma_start3A_75 = arith.constant 0 : i32
    %dma_start3A_76 = tpu.memref_slice %arg6[%dma_start3A_73, %dma_start3A_74, %dma_start3A_75] : memref<8x128x64xf32, #tpu.memory_space<vmem>> -> memref<1x128x64xf32, #tpu.memory_space<vmem>>
    %dma_start3A_77 = tpu.memref_squeeze %dma_start3A_76 : memref<1x128x64xf32, #tpu.memory_space<vmem>> -> memref<128x64xf32, #tpu.memory_space<vmem>>
    %dma_start3A_78 = arith.constant 0 : i32
    %dma_start3A_79 = tpu.memref_slice %arg5[%dma_start3A_72, %dma_start3A_78] : memref<50x128xi32, #tpu.memory_space<vmem>> -> memref<1x128xi32, #tpu.memory_space<vmem>>
    %dma_start3A_80 = tpu.memref_squeeze %dma_start3A_79 : memref<1x128xi32, #tpu.memory_space<vmem>> -> memref<128xi32, #tpu.memory_space<vmem>>
    %dma_start3A_81 = arith.constant 0 : i32
    %dma_start3A_82 = arith.constant 0 : i32
    %dma_start3A_83 = tpu.memref_slice %arg3[%dma_start3A_81, %dma_start3A_82] : memref<100000x64xf32, #tpu.memory_space<hbm>> -> memref<100000x64xf32, #tpu.memory_space<hbm>>
    tpu.enqueue_indirect_dma source(%dma_start3A_83 : memref<100000x64xf32, #tpu.memory_space<hbm>>) target(%dma_start3A_77 : memref<128x64xf32, #tpu.memory_space<vmem>>) offsets(%dma_start3A_80 : memref<128xi32, #tpu.memory_space<vmem>>) semaphore(%arg13 : memref<!tpu.dma_semaphore, #tpu.memory_space<semaphore_mem>>)
    %dma_start3A_84 = arith.constant 7 : i32
    %dma_start3A_85 = arith.constant 7 : i32
    %dma_start3A_86 = arith.constant 0 : i32
    %dma_start3A_87 = arith.constant 0 : i32
    %dma_start3A_88 = tpu.memref_slice %arg6[%dma_start3A_85, %dma_start3A_86, %dma_start3A_87] : memref<8x128x64xf32, #tpu.memory_space<vmem>> -> memref<1x128x64xf32, #tpu.memory_space<vmem>>
    %dma_start3A_89 = tpu.memref_squeeze %dma_start3A_88 : memref<1x128x64xf32, #tpu.memory_space<vmem>> -> memref<128x64xf32, #tpu.memory_space<vmem>>
    %dma_start3A_90 = arith.constant 0 : i32
    %dma_start3A_91 = tpu.memref_slice %arg5[%dma_start3A_84, %dma_start3A_90] : memref<50x128xi32, #tpu.memory_space<vmem>> -> memref<1x128xi32, #tpu.memory_space<vmem>>
    %dma_start3A_92 = tpu.memref_squeeze %dma_start3A_91 : memref<1x128xi32, #tpu.memory_space<vmem>> -> memref<128xi32, #tpu.memory_space<vmem>>
    %dma_start3A_93 = arith.constant 0 : i32
    %dma_start3A_94 = arith.constant 0 : i32
    %dma_start3A_95 = tpu.memref_slice %arg3[%dma_start3A_93, %dma_start3A_94] : memref<100000x64xf32, #tpu.memory_space<hbm>> -> memref<100000x64xf32, #tpu.memory_space<hbm>>
    tpu.enqueue_indirect_dma source(%dma_start3A_95 : memref<100000x64xf32, #tpu.memory_space<hbm>>) target(%dma_start3A_89 : memref<128x64xf32, #tpu.memory_space<vmem>>) offsets(%dma_start3A_92 : memref<128xi32, #tpu.memory_space<vmem>>) semaphore(%arg14 : memref<!tpu.dma_semaphore, #tpu.memory_space<semaphore_mem>>)
    %scan3A = arith.constant 0 : i32
    %scan3A_96 = arith.constant 0 : i32
    %scan3A_97 = arith.constant 50 : i32
    %scan3A_98 = arith.addi %scan3A_96, %scan3A_97 : i32
    %scan3A_99 = arith.constant 1 : i32
    %scan3A_100 = scf.for %scan3A_245 = %scan3A_96 to %scan3A_98 step %scan3A_99 iter_args(%scan3A_246 = %scan3A) -> (i32)  : i32 {
      %jit3A = arith.constant 8 : i32
      %eq3A = arith.constant 0 : i32
      %eq3A_247 = arith.cmpi eq, %jit3A, %eq3A : i32
      %jit3A_248 = arith.constant 1 : i32
      %select_n3A = arith.select %eq3A_247, %jit3A_248, %jit3A : i32
      %rem3A = arith.remsi %scan3A_245, %select_n3A : i32
      %ne3A = arith.constant 0 : i32
      %ne3A_249 = arith.cmpi ne, %rem3A, %ne3A : i32
      %lt3A = arith.constant 0 : i32
      %lt3A_250 = arith.cmpi slt, %rem3A, %lt3A : i32
      %lt3A_251 = arith.constant 0 : i32
      %lt3A_252 = arith.cmpi slt, %select_n3A, %lt3A_251 : i32
      %ne3A_253 = arith.xori %lt3A_250, %lt3A_252 : i1
      %and3A = arith.andi %ne3A_253, %ne3A_249 : i1
      %add3A_254 = arith.addi %rem3A, %select_n3A : i32
      %select_n3A_255 = arith.select %and3A, %add3A_254, %rem3A : i32
      %eq3A_256 = arith.constant 0 : i32
      %eq3A_257 = arith.cmpi eq, %select_n3A_255, %eq3A_256 : i32
      %convert_element_type3A = arith.extui %eq3A_257 : i1 to i32
      %cond3A = arith.constant 0 : i32
      %cond3A_258 = arith.cmpi ne, %convert_element_type3A, %cond3A : i32
      scf.if %cond3A_258 {
        %dma_wait3A_414 = arith.constant 0 : i32
        %dma_wait3A_415 = arith.constant 0 : i32
        %dma_wait3A_416 = arith.constant 0 : i32
        %dma_wait3A_417 = arith.constant 0 : i32
        %dma_wait3A_418 = tpu.memref_slice %arg6[%dma_wait3A_415, %dma_wait3A_416, %dma_wait3A_417] : memref<8x128x64xf32, #tpu.memory_space<vmem>> -> memref<1x128x64xf32, #tpu.memory_space<vmem>>
        %dma_wait3A_419 = tpu.memref_squeeze %dma_wait3A_418 : memref<1x128x64xf32, #tpu.memory_space<vmem>> -> memref<128x64xf32, #tpu.memory_space<vmem>>
        %dma_wait3A_420 = arith.constant 0 : i32
        %dma_wait3A_421 = tpu.memref_slice %arg5[%dma_wait3A_414, %dma_wait3A_420] : memref<50x128xi32, #tpu.memory_space<vmem>> -> memref<1x128xi32, #tpu.memory_space<vmem>>
        %dma_wait3A_422 = tpu.memref_squeeze %dma_wait3A_421 : memref<1x128xi32, #tpu.memory_space<vmem>> -> memref<128xi32, #tpu.memory_space<vmem>>
        %dma_wait3A_423 = arith.constant 0 : i32
        %dma_wait3A_424 = arith.constant 0 : i32
        %dma_wait3A_425 = tpu.memref_slice %arg3[%dma_wait3A_423, %dma_wait3A_424] : memref<100000x64xf32, #tpu.memory_space<hbm>> -> memref<100000x64xf32, #tpu.memory_space<hbm>>
        tpu.wait_indirect_dma semaphore(%arg7 : memref<!tpu.dma_semaphore, #tpu.memory_space<semaphore_mem>>) src(%dma_wait3A_425 : memref<100000x64xf32, #tpu.memory_space<hbm>>) dst(%dma_wait3A_419 : memref<128x64xf32, #tpu.memory_space<vmem>>)
        %dma_start3A_426 = arith.constant 0 : i32
        %dma_start3A_427 = arith.constant 0 : i32
        %dma_start3A_428 = arith.constant 0 : i32
        %dma_start3A_429 = tpu.memref_slice %arg6[%dma_start3A_426, %dma_start3A_427, %dma_start3A_428] : memref<8x128x64xf32, #tpu.memory_space<vmem>> -> memref<1x128x64xf32, #tpu.memory_space<vmem>>
        %dma_start3A_430 = tpu.memref_squeeze %dma_start3A_429 : memref<1x128x64xf32, #tpu.memory_space<vmem>> -> memref<128x64xf32, #tpu.memory_space<vmem>>
        %dma_start3A_431 = arith.constant 0 : i32
        %dma_start3A_432 = arith.constant 0 : i32
        %dma_start3A_433 = tpu.memref_slice %arg4[%scan3A_245, %add3A, %dma_start3A_431, %dma_start3A_432] : memref<50x32x128x64xf32, #tpu.memory_space<hbm>> -> memref<1x1x128x64xf32, #tpu.memory_space<hbm>>
        %dma_start3A_434 = tpu.memref_squeeze %dma_start3A_433 : memref<1x1x128x64xf32, #tpu.memory_space<hbm>> -> memref<128x64xf32, #tpu.memory_space<hbm>>
        %dma_start3A_435 = arith.constant 0 : i32
        %dma_start3A_436 = arith.constant 0 : i32
        %dma_start3A_437 = tpu.memref_slice %arg4[%scan3A_245, %add3A, %dma_start3A_435, %dma_start3A_436] : memref<50x32x128x64xf32, #tpu.memory_space<hbm>> -> memref<1x1x128x64xf32, #tpu.memory_space<hbm>>
        %dma_start3A_438 = tpu.memref_squeeze %dma_start3A_437 : memref<1x1x128x64xf32, #tpu.memory_space<hbm>> -> memref<128x64xf32, #tpu.memory_space<hbm>>
        %dma_start3A_439 = arith.constant 0 : i32
        %dma_start3A_440 = arith.constant 0 : i32
        %dma_start3A_441 = tpu.memref_slice %arg6[%dma_start3A_426, %dma_start3A_439, %dma_start3A_440] : memref<8x128x64xf32, #tpu.memory_space<vmem>> -> memref<1x128x64xf32, #tpu.memory_space<vmem>>
        %dma_start3A_442 = tpu.memref_squeeze %dma_start3A_441 : memref<1x128x64xf32, #tpu.memory_space<vmem>> -> memref<128x64xf32, #tpu.memory_space<vmem>>
        tpu.enqueue_dma source(%dma_start3A_442 : memref<128x64xf32, #tpu.memory_space<vmem>>) target(%dma_start3A_438 : memref<128x64xf32, #tpu.memory_space<hbm>>) target_semaphore(%arg15 : memref<!tpu.dma_semaphore, #tpu.memory_space<semaphore_mem>>)
      } else {
      }
      %jit3A_259 = arith.constant 8 : i32
      %eq3A_260 = arith.constant 0 : i32
      %eq3A_261 = arith.cmpi eq, %jit3A_259, %eq3A_260 : i32
      %jit3A_262 = arith.constant 1 : i32
      %select_n3A_263 = arith.select %eq3A_261, %jit3A_262, %jit3A_259 : i32
      %rem3A_264 = arith.remsi %scan3A_245, %select_n3A_263 : i32
      %ne3A_265 = arith.constant 0 : i32
      %ne3A_266 = arith.cmpi ne, %rem3A_264, %ne3A_265 : i32
      %lt3A_267 = arith.constant 0 : i32
      %lt3A_268 = arith.cmpi slt, %rem3A_264, %lt3A_267 : i32
      %lt3A_269 = arith.constant 0 : i32
      %lt3A_270 = arith.cmpi slt, %select_n3A_263, %lt3A_269 : i32
      %ne3A_271 = arith.xori %lt3A_268, %lt3A_270 : i1
      %and3A_272 = arith.andi %ne3A_271, %ne3A_266 : i1
      %add3A_273 = arith.addi %rem3A_264, %select_n3A_263 : i32
      %select_n3A_274 = arith.select %and3A_272, %add3A_273, %rem3A_264 : i32
      %eq3A_275 = arith.constant 1 : i32
      %eq3A_276 = arith.cmpi eq, %select_n3A_274, %eq3A_275 : i32
      %convert_element_type3A_277 = arith.extui %eq3A_276 : i1 to i32
      %cond3A_278 = arith.constant 0 : i32
      %cond3A_279 = arith.cmpi ne, %convert_element_type3A_277, %cond3A_278 : i32
      scf.if %cond3A_279 {
        %dma_wait3A_414 = arith.constant 0 : i32
        %dma_wait3A_415 = arith.constant 1 : i32
        %dma_wait3A_416 = arith.constant 0 : i32
        %dma_wait3A_417 = arith.constant 0 : i32
        %dma_wait3A_418 = tpu.memref_slice %arg6[%dma_wait3A_415, %dma_wait3A_416, %dma_wait3A_417] : memref<8x128x64xf32, #tpu.memory_space<vmem>> -> memref<1x128x64xf32, #tpu.memory_space<vmem>>
        %dma_wait3A_419 = tpu.memref_squeeze %dma_wait3A_418 : memref<1x128x64xf32, #tpu.memory_space<vmem>> -> memref<128x64xf32, #tpu.memory_space<vmem>>
        %dma_wait3A_420 = arith.constant 0 : i32
        %dma_wait3A_421 = tpu.memref_slice %arg5[%dma_wait3A_414, %dma_wait3A_420] : memref<50x128xi32, #tpu.memory_space<vmem>> -> memref<1x128xi32, #tpu.memory_space<vmem>>
        %dma_wait3A_422 = tpu.memref_squeeze %dma_wait3A_421 : memref<1x128xi32, #tpu.memory_space<vmem>> -> memref<128xi32, #tpu.memory_space<vmem>>
        %dma_wait3A_423 = arith.constant 0 : i32
        %dma_wait3A_424 = arith.constant 0 : i32
        %dma_wait3A_425 = tpu.memref_slice %arg3[%dma_wait3A_423, %dma_wait3A_424] : memref<100000x64xf32, #tpu.memory_space<hbm>> -> memref<100000x64xf32, #tpu.memory_space<hbm>>
        tpu.wait_indirect_dma semaphore(%arg8 : memref<!tpu.dma_semaphore, #tpu.memory_space<semaphore_mem>>) src(%dma_wait3A_425 : memref<100000x64xf32, #tpu.memory_space<hbm>>) dst(%dma_wait3A_419 : memref<128x64xf32, #tpu.memory_space<vmem>>)
        %dma_start3A_426 = arith.constant 1 : i32
        %dma_start3A_427 = arith.constant 0 : i32
        %dma_start3A_428 = arith.constant 0 : i32
        %dma_start3A_429 = tpu.memref_slice %arg6[%dma_start3A_426, %dma_start3A_427, %dma_start3A_428] : memref<8x128x64xf32, #tpu.memory_space<vmem>> -> memref<1x128x64xf32, #tpu.memory_space<vmem>>
        %dma_start3A_430 = tpu.memref_squeeze %dma_start3A_429 : memref<1x128x64xf32, #tpu.memory_space<vmem>> -> memref<128x64xf32, #tpu.memory_space<vmem>>
        %dma_start3A_431 = arith.constant 0 : i32
        %dma_start3A_432 = arith.constant 0 : i32
        %dma_start3A_433 = tpu.memref_slice %arg4[%scan3A_245, %add3A, %dma_start3A_431, %dma_start3A_432] : memref<50x32x128x64xf32, #tpu.memory_space<hbm>> -> memref<1x1x128x64xf32, #tpu.memory_space<hbm>>
        %dma_start3A_434 = tpu.memref_squeeze %dma_start3A_433 : memref<1x1x128x64xf32, #tpu.memory_space<hbm>> -> memref<128x64xf32, #tpu.memory_space<hbm>>
        %dma_start3A_435 = arith.constant 0 : i32
        %dma_start3A_436 = arith.constant 0 : i32
        %dma_start3A_437 = tpu.memref_slice %arg4[%scan3A_245, %add3A, %dma_start3A_435, %dma_start3A_436] : memref<50x32x128x64xf32, #tpu.memory_space<hbm>> -> memref<1x1x128x64xf32, #tpu.memory_space<hbm>>
        %dma_start3A_438 = tpu.memref_squeeze %dma_start3A_437 : memref<1x1x128x64xf32, #tpu.memory_space<hbm>> -> memref<128x64xf32, #tpu.memory_space<hbm>>
        %dma_start3A_439 = arith.constant 0 : i32
        %dma_start3A_440 = arith.constant 0 : i32
        %dma_start3A_441 = tpu.memref_slice %arg6[%dma_start3A_426, %dma_start3A_439, %dma_start3A_440] : memref<8x128x64xf32, #tpu.memory_space<vmem>> -> memref<1x128x64xf32, #tpu.memory_space<vmem>>
        %dma_start3A_442 = tpu.memref_squeeze %dma_start3A_441 : memref<1x128x64xf32, #tpu.memory_space<vmem>> -> memref<128x64xf32, #tpu.memory_space<vmem>>
        tpu.enqueue_dma source(%dma_start3A_442 : memref<128x64xf32, #tpu.memory_space<vmem>>) target(%dma_start3A_438 : memref<128x64xf32, #tpu.memory_space<hbm>>) target_semaphore(%arg16 : memref<!tpu.dma_semaphore, #tpu.memory_space<semaphore_mem>>)
      } else {
      }
      %jit3A_280 = arith.constant 8 : i32
      %eq3A_281 = arith.constant 0 : i32
      %eq3A_282 = arith.cmpi eq, %jit3A_280, %eq3A_281 : i32
      %jit3A_283 = arith.constant 1 : i32
      %select_n3A_284 = arith.select %eq3A_282, %jit3A_283, %jit3A_280 : i32
      %rem3A_285 = arith.remsi %scan3A_245, %select_n3A_284 : i32
      %ne3A_286 = arith.constant 0 : i32
      %ne3A_287 = arith.cmpi ne, %rem3A_285, %ne3A_286 : i32
      %lt3A_288 = arith.constant 0 : i32
      %lt3A_289 = arith.cmpi slt, %rem3A_285, %lt3A_288 : i32
      %lt3A_290 = arith.constant 0 : i32
      %lt3A_291 = arith.cmpi slt, %select_n3A_284, %lt3A_290 : i32
      %ne3A_292 = arith.xori %lt3A_289, %lt3A_291 : i1
      %and3A_293 = arith.andi %ne3A_292, %ne3A_287 : i1
      %add3A_294 = arith.addi %rem3A_285, %select_n3A_284 : i32
      %select_n3A_295 = arith.select %and3A_293, %add3A_294, %rem3A_285 : i32
      %eq3A_296 = arith.constant 2 : i32
      %eq3A_297 = arith.cmpi eq, %select_n3A_295, %eq3A_296 : i32
      %convert_element_type3A_298 = arith.extui %eq3A_297 : i1 to i32
      %cond3A_299 = arith.constant 0 : i32
      %cond3A_300 = arith.cmpi ne, %convert_element_type3A_298, %cond3A_299 : i32
      scf.if %cond3A_300 {
        %dma_wait3A_414 = arith.constant 0 : i32
        %dma_wait3A_415 = arith.constant 2 : i32
        %dma_wait3A_416 = arith.constant 0 : i32
        %dma_wait3A_417 = arith.constant 0 : i32
        %dma_wait3A_418 = tpu.memref_slice %arg6[%dma_wait3A_415, %dma_wait3A_416, %dma_wait3A_417] : memref<8x128x64xf32, #tpu.memory_space<vmem>> -> memref<1x128x64xf32, #tpu.memory_space<vmem>>
        %dma_wait3A_419 = tpu.memref_squeeze %dma_wait3A_418 : memref<1x128x64xf32, #tpu.memory_space<vmem>> -> memref<128x64xf32, #tpu.memory_space<vmem>>
        %dma_wait3A_420 = arith.constant 0 : i32
        %dma_wait3A_421 = tpu.memref_slice %arg5[%dma_wait3A_414, %dma_wait3A_420] : memref<50x128xi32, #tpu.memory_space<vmem>> -> memref<1x128xi32, #tpu.memory_space<vmem>>
        %dma_wait3A_422 = tpu.memref_squeeze %dma_wait3A_421 : memref<1x128xi32, #tpu.memory_space<vmem>> -> memref<128xi32, #tpu.memory_space<vmem>>
        %dma_wait3A_423 = arith.constant 0 : i32
        %dma_wait3A_424 = arith.constant 0 : i32
        %dma_wait3A_425 = tpu.memref_slice %arg3[%dma_wait3A_423, %dma_wait3A_424] : memref<100000x64xf32, #tpu.memory_space<hbm>> -> memref<100000x64xf32, #tpu.memory_space<hbm>>
        tpu.wait_indirect_dma semaphore(%arg9 : memref<!tpu.dma_semaphore, #tpu.memory_space<semaphore_mem>>) src(%dma_wait3A_425 : memref<100000x64xf32, #tpu.memory_space<hbm>>) dst(%dma_wait3A_419 : memref<128x64xf32, #tpu.memory_space<vmem>>)
        %dma_start3A_426 = arith.constant 2 : i32
        %dma_start3A_427 = arith.constant 0 : i32
        %dma_start3A_428 = arith.constant 0 : i32
        %dma_start3A_429 = tpu.memref_slice %arg6[%dma_start3A_426, %dma_start3A_427, %dma_start3A_428] : memref<8x128x64xf32, #tpu.memory_space<vmem>> -> memref<1x128x64xf32, #tpu.memory_space<vmem>>
        %dma_start3A_430 = tpu.memref_squeeze %dma_start3A_429 : memref<1x128x64xf32, #tpu.memory_space<vmem>> -> memref<128x64xf32, #tpu.memory_space<vmem>>
        %dma_start3A_431 = arith.constant 0 : i32
        %dma_start3A_432 = arith.constant 0 : i32
        %dma_start3A_433 = tpu.memref_slice %arg4[%scan3A_245, %add3A, %dma_start3A_431, %dma_start3A_432] : memref<50x32x128x64xf32, #tpu.memory_space<hbm>> -> memref<1x1x128x64xf32, #tpu.memory_space<hbm>>
        %dma_start3A_434 = tpu.memref_squeeze %dma_start3A_433 : memref<1x1x128x64xf32, #tpu.memory_space<hbm>> -> memref<128x64xf32, #tpu.memory_space<hbm>>
        %dma_start3A_435 = arith.constant 0 : i32
        %dma_start3A_436 = arith.constant 0 : i32
        %dma_start3A_437 = tpu.memref_slice %arg4[%scan3A_245, %add3A, %dma_start3A_435, %dma_start3A_436] : memref<50x32x128x64xf32, #tpu.memory_space<hbm>> -> memref<1x1x128x64xf32, #tpu.memory_space<hbm>>
        %dma_start3A_438 = tpu.memref_squeeze %dma_start3A_437 : memref<1x1x128x64xf32, #tpu.memory_space<hbm>> -> memref<128x64xf32, #tpu.memory_space<hbm>>
        %dma_start3A_439 = arith.constant 0 : i32
        %dma_start3A_440 = arith.constant 0 : i32
        %dma_start3A_441 = tpu.memref_slice %arg6[%dma_start3A_426, %dma_start3A_439, %dma_start3A_440] : memref<8x128x64xf32, #tpu.memory_space<vmem>> -> memref<1x128x64xf32, #tpu.memory_space<vmem>>
        %dma_start3A_442 = tpu.memref_squeeze %dma_start3A_441 : memref<1x128x64xf32, #tpu.memory_space<vmem>> -> memref<128x64xf32, #tpu.memory_space<vmem>>
        tpu.enqueue_dma source(%dma_start3A_442 : memref<128x64xf32, #tpu.memory_space<vmem>>) target(%dma_start3A_438 : memref<128x64xf32, #tpu.memory_space<hbm>>) target_semaphore(%arg17 : memref<!tpu.dma_semaphore, #tpu.memory_space<semaphore_mem>>)
      } else {
      }
      %jit3A_301 = arith.constant 8 : i32
      %eq3A_302 = arith.constant 0 : i32
      %eq3A_303 = arith.cmpi eq, %jit3A_301, %eq3A_302 : i32
      %jit3A_304 = arith.constant 1 : i32
      %select_n3A_305 = arith.select %eq3A_303, %jit3A_304, %jit3A_301 : i32
      %rem3A_306 = arith.remsi %scan3A_245, %select_n3A_305 : i32
      %ne3A_307 = arith.constant 0 : i32
      %ne3A_308 = arith.cmpi ne, %rem3A_306, %ne3A_307 : i32
      %lt3A_309 = arith.constant 0 : i32
      %lt3A_310 = arith.cmpi slt, %rem3A_306, %lt3A_309 : i32
      %lt3A_311 = arith.constant 0 : i32
      %lt3A_312 = arith.cmpi slt, %select_n3A_305, %lt3A_311 : i32
      %ne3A_313 = arith.xori %lt3A_310, %lt3A_312 : i1
      %and3A_314 = arith.andi %ne3A_313, %ne3A_308 : i1
      %add3A_315 = arith.addi %rem3A_306, %select_n3A_305 : i32
      %select_n3A_316 = arith.select %and3A_314, %add3A_315, %rem3A_306 : i32
      %eq3A_317 = arith.constant 3 : i32
      %eq3A_318 = arith.cmpi eq, %select_n3A_316, %eq3A_317 : i32
      %convert_element_type3A_319 = arith.extui %eq3A_318 : i1 to i32
      %cond3A_320 = arith.constant 0 : i32
      %cond3A_321 = arith.cmpi ne, %convert_element_type3A_319, %cond3A_320 : i32
      scf.if %cond3A_321 {
        %dma_wait3A_414 = arith.constant 0 : i32
        %dma_wait3A_415 = arith.constant 3 : i32
        %dma_wait3A_416 = arith.constant 0 : i32
        %dma_wait3A_417 = arith.constant 0 : i32
        %dma_wait3A_418 = tpu.memref_slice %arg6[%dma_wait3A_415, %dma_wait3A_416, %dma_wait3A_417] : memref<8x128x64xf32, #tpu.memory_space<vmem>> -> memref<1x128x64xf32, #tpu.memory_space<vmem>>
        %dma_wait3A_419 = tpu.memref_squeeze %dma_wait3A_418 : memref<1x128x64xf32, #tpu.memory_space<vmem>> -> memref<128x64xf32, #tpu.memory_space<vmem>>
        %dma_wait3A_420 = arith.constant 0 : i32
        %dma_wait3A_421 = tpu.memref_slice %arg5[%dma_wait3A_414, %dma_wait3A_420] : memref<50x128xi32, #tpu.memory_space<vmem>> -> memref<1x128xi32, #tpu.memory_space<vmem>>
        %dma_wait3A_422 = tpu.memref_squeeze %dma_wait3A_421 : memref<1x128xi32, #tpu.memory_space<vmem>> -> memref<128xi32, #tpu.memory_space<vmem>>
        %dma_wait3A_423 = arith.constant 0 : i32
        %dma_wait3A_424 = arith.constant 0 : i32
        %dma_wait3A_425 = tpu.memref_slice %arg3[%dma_wait3A_423, %dma_wait3A_424] : memref<100000x64xf32, #tpu.memory_space<hbm>> -> memref<100000x64xf32, #tpu.memory_space<hbm>>
        tpu.wait_indirect_dma semaphore(%arg10 : memref<!tpu.dma_semaphore, #tpu.memory_space<semaphore_mem>>) src(%dma_wait3A_425 : memref<100000x64xf32, #tpu.memory_space<hbm>>) dst(%dma_wait3A_419 : memref<128x64xf32, #tpu.memory_space<vmem>>)
        %dma_start3A_426 = arith.constant 3 : i32
        %dma_start3A_427 = arith.constant 0 : i32
        %dma_start3A_428 = arith.constant 0 : i32
        %dma_start3A_429 = tpu.memref_slice %arg6[%dma_start3A_426, %dma_start3A_427, %dma_start3A_428] : memref<8x128x64xf32, #tpu.memory_space<vmem>> -> memref<1x128x64xf32, #tpu.memory_space<vmem>>
        %dma_start3A_430 = tpu.memref_squeeze %dma_start3A_429 : memref<1x128x64xf32, #tpu.memory_space<vmem>> -> memref<128x64xf32, #tpu.memory_space<vmem>>
        %dma_start3A_431 = arith.constant 0 : i32
        %dma_start3A_432 = arith.constant 0 : i32
        %dma_start3A_433 = tpu.memref_slice %arg4[%scan3A_245, %add3A, %dma_start3A_431, %dma_start3A_432] : memref<50x32x128x64xf32, #tpu.memory_space<hbm>> -> memref<1x1x128x64xf32, #tpu.memory_space<hbm>>
        %dma_start3A_434 = tpu.memref_squeeze %dma_start3A_433 : memref<1x1x128x64xf32, #tpu.memory_space<hbm>> -> memref<128x64xf32, #tpu.memory_space<hbm>>
        %dma_start3A_435 = arith.constant 0 : i32
        %dma_start3A_436 = arith.constant 0 : i32
        %dma_start3A_437 = tpu.memref_slice %arg4[%scan3A_245, %add3A, %dma_start3A_435, %dma_start3A_436] : memref<50x32x128x64xf32, #tpu.memory_space<hbm>> -> memref<1x1x128x64xf32, #tpu.memory_space<hbm>>
        %dma_start3A_438 = tpu.memref_squeeze %dma_start3A_437 : memref<1x1x128x64xf32, #tpu.memory_space<hbm>> -> memref<128x64xf32, #tpu.memory_space<hbm>>
        %dma_start3A_439 = arith.constant 0 : i32
        %dma_start3A_440 = arith.constant 0 : i32
        %dma_start3A_441 = tpu.memref_slice %arg6[%dma_start3A_426, %dma_start3A_439, %dma_start3A_440] : memref<8x128x64xf32, #tpu.memory_space<vmem>> -> memref<1x128x64xf32, #tpu.memory_space<vmem>>
        %dma_start3A_442 = tpu.memref_squeeze %dma_start3A_441 : memref<1x128x64xf32, #tpu.memory_space<vmem>> -> memref<128x64xf32, #tpu.memory_space<vmem>>
        tpu.enqueue_dma source(%dma_start3A_442 : memref<128x64xf32, #tpu.memory_space<vmem>>) target(%dma_start3A_438 : memref<128x64xf32, #tpu.memory_space<hbm>>) target_semaphore(%arg18 : memref<!tpu.dma_semaphore, #tpu.memory_space<semaphore_mem>>)
      } else {
      }
      %jit3A_322 = arith.constant 8 : i32
      %eq3A_323 = arith.constant 0 : i32
      %eq3A_324 = arith.cmpi eq, %jit3A_322, %eq3A_323 : i32
      %jit3A_325 = arith.constant 1 : i32
      %select_n3A_326 = arith.select %eq3A_324, %jit3A_325, %jit3A_322 : i32
      %rem3A_327 = arith.remsi %scan3A_245, %select_n3A_326 : i32
      %ne3A_328 = arith.constant 0 : i32
      %ne3A_329 = arith.cmpi ne, %rem3A_327, %ne3A_328 : i32
      %lt3A_330 = arith.constant 0 : i32
      %lt3A_331 = arith.cmpi slt, %rem3A_327, %lt3A_330 : i32
      %lt3A_332 = arith.constant 0 : i32
      %lt3A_333 = arith.cmpi slt, %select_n3A_326, %lt3A_332 : i32
      %ne3A_334 = arith.xori %lt3A_331, %lt3A_333 : i1
      %and3A_335 = arith.andi %ne3A_334, %ne3A_329 : i1
      %add3A_336 = arith.addi %rem3A_327, %select_n3A_326 : i32
      %select_n3A_337 = arith.select %and3A_335, %add3A_336, %rem3A_327 : i32
      %eq3A_338 = arith.constant 4 : i32
      %eq3A_339 = arith.cmpi eq, %select_n3A_337, %eq3A_338 : i32
      %convert_element_type3A_340 = arith.extui %eq3A_339 : i1 to i32
      %cond3A_341 = arith.constant 0 : i32
      %cond3A_342 = arith.cmpi ne, %convert_element_type3A_340, %cond3A_341 : i32
      scf.if %cond3A_342 {
        %dma_wait3A_414 = arith.constant 0 : i32
        %dma_wait3A_415 = arith.constant 4 : i32
        %dma_wait3A_416 = arith.constant 0 : i32
        %dma_wait3A_417 = arith.constant 0 : i32
        %dma_wait3A_418 = tpu.memref_slice %arg6[%dma_wait3A_415, %dma_wait3A_416, %dma_wait3A_417] : memref<8x128x64xf32, #tpu.memory_space<vmem>> -> memref<1x128x64xf32, #tpu.memory_space<vmem>>
        %dma_wait3A_419 = tpu.memref_squeeze %dma_wait3A_418 : memref<1x128x64xf32, #tpu.memory_space<vmem>> -> memref<128x64xf32, #tpu.memory_space<vmem>>
        %dma_wait3A_420 = arith.constant 0 : i32
        %dma_wait3A_421 = tpu.memref_slice %arg5[%dma_wait3A_414, %dma_wait3A_420] : memref<50x128xi32, #tpu.memory_space<vmem>> -> memref<1x128xi32, #tpu.memory_space<vmem>>
        %dma_wait3A_422 = tpu.memref_squeeze %dma_wait3A_421 : memref<1x128xi32, #tpu.memory_space<vmem>> -> memref<128xi32, #tpu.memory_space<vmem>>
        %dma_wait3A_423 = arith.constant 0 : i32
        %dma_wait3A_424 = arith.constant 0 : i32
        %dma_wait3A_425 = tpu.memref_slice %arg3[%dma_wait3A_423, %dma_wait3A_424] : memref<100000x64xf32, #tpu.memory_space<hbm>> -> memref<100000x64xf32, #tpu.memory_space<hbm>>
        tpu.wait_indirect_dma semaphore(%arg11 : memref<!tpu.dma_semaphore, #tpu.memory_space<semaphore_mem>>) src(%dma_wait3A_425 : memref<100000x64xf32, #tpu.memory_space<hbm>>) dst(%dma_wait3A_419 : memref<128x64xf32, #tpu.memory_space<vmem>>)
        %dma_start3A_426 = arith.constant 4 : i32
        %dma_start3A_427 = arith.constant 0 : i32
        %dma_start3A_428 = arith.constant 0 : i32
        %dma_start3A_429 = tpu.memref_slice %arg6[%dma_start3A_426, %dma_start3A_427, %dma_start3A_428] : memref<8x128x64xf32, #tpu.memory_space<vmem>> -> memref<1x128x64xf32, #tpu.memory_space<vmem>>
        %dma_start3A_430 = tpu.memref_squeeze %dma_start3A_429 : memref<1x128x64xf32, #tpu.memory_space<vmem>> -> memref<128x64xf32, #tpu.memory_space<vmem>>
        %dma_start3A_431 = arith.constant 0 : i32
        %dma_start3A_432 = arith.constant 0 : i32
        %dma_start3A_433 = tpu.memref_slice %arg4[%scan3A_245, %add3A, %dma_start3A_431, %dma_start3A_432] : memref<50x32x128x64xf32, #tpu.memory_space<hbm>> -> memref<1x1x128x64xf32, #tpu.memory_space<hbm>>
        %dma_start3A_434 = tpu.memref_squeeze %dma_start3A_433 : memref<1x1x128x64xf32, #tpu.memory_space<hbm>> -> memref<128x64xf32, #tpu.memory_space<hbm>>
        %dma_start3A_435 = arith.constant 0 : i32
        %dma_start3A_436 = arith.constant 0 : i32
        %dma_start3A_437 = tpu.memref_slice %arg4[%scan3A_245, %add3A, %dma_start3A_435, %dma_start3A_436] : memref<50x32x128x64xf32, #tpu.memory_space<hbm>> -> memref<1x1x128x64xf32, #tpu.memory_space<hbm>>
        %dma_start3A_438 = tpu.memref_squeeze %dma_start3A_437 : memref<1x1x128x64xf32, #tpu.memory_space<hbm>> -> memref<128x64xf32, #tpu.memory_space<hbm>>
        %dma_start3A_439 = arith.constant 0 : i32
        %dma_start3A_440 = arith.constant 0 : i32
        %dma_start3A_441 = tpu.memref_slice %arg6[%dma_start3A_426, %dma_start3A_439, %dma_start3A_440] : memref<8x128x64xf32, #tpu.memory_space<vmem>> -> memref<1x128x64xf32, #tpu.memory_space<vmem>>
        %dma_start3A_442 = tpu.memref_squeeze %dma_start3A_441 : memref<1x128x64xf32, #tpu.memory_space<vmem>> -> memref<128x64xf32, #tpu.memory_space<vmem>>
        tpu.enqueue_dma source(%dma_start3A_442 : memref<128x64xf32, #tpu.memory_space<vmem>>) target(%dma_start3A_438 : memref<128x64xf32, #tpu.memory_space<hbm>>) target_semaphore(%arg19 : memref<!tpu.dma_semaphore, #tpu.memory_space<semaphore_mem>>)
      } else {
      }
      %jit3A_343 = arith.constant 8 : i32
      %eq3A_344 = arith.constant 0 : i32
      %eq3A_345 = arith.cmpi eq, %jit3A_343, %eq3A_344 : i32
      %jit3A_346 = arith.constant 1 : i32
      %select_n3A_347 = arith.select %eq3A_345, %jit3A_346, %jit3A_343 : i32
      %rem3A_348 = arith.remsi %scan3A_245, %select_n3A_347 : i32
      %ne3A_349 = arith.constant 0 : i32
      %ne3A_350 = arith.cmpi ne, %rem3A_348, %ne3A_349 : i32
      %lt3A_351 = arith.constant 0 : i32
      %lt3A_352 = arith.cmpi slt, %rem3A_348, %lt3A_351 : i32
      %lt3A_353 = arith.constant 0 : i32
      %lt3A_354 = arith.cmpi slt, %select_n3A_347, %lt3A_353 : i32
      %ne3A_355 = arith.xori %lt3A_352, %lt3A_354 : i1
      %and3A_356 = arith.andi %ne3A_355, %ne3A_350 : i1
      %add3A_357 = arith.addi %rem3A_348, %select_n3A_347 : i32
      %select_n3A_358 = arith.select %and3A_356, %add3A_357, %rem3A_348 : i32
      %eq3A_359 = arith.constant 5 : i32
      %eq3A_360 = arith.cmpi eq, %select_n3A_358, %eq3A_359 : i32
      %convert_element_type3A_361 = arith.extui %eq3A_360 : i1 to i32
      %cond3A_362 = arith.constant 0 : i32
      %cond3A_363 = arith.cmpi ne, %convert_element_type3A_361, %cond3A_362 : i32
      scf.if %cond3A_363 {
        %dma_wait3A_414 = arith.constant 0 : i32
        %dma_wait3A_415 = arith.constant 5 : i32
        %dma_wait3A_416 = arith.constant 0 : i32
        %dma_wait3A_417 = arith.constant 0 : i32
        %dma_wait3A_418 = tpu.memref_slice %arg6[%dma_wait3A_415, %dma_wait3A_416, %dma_wait3A_417] : memref<8x128x64xf32, #tpu.memory_space<vmem>> -> memref<1x128x64xf32, #tpu.memory_space<vmem>>
        %dma_wait3A_419 = tpu.memref_squeeze %dma_wait3A_418 : memref<1x128x64xf32, #tpu.memory_space<vmem>> -> memref<128x64xf32, #tpu.memory_space<vmem>>
        %dma_wait3A_420 = arith.constant 0 : i32
        %dma_wait3A_421 = tpu.memref_slice %arg5[%dma_wait3A_414, %dma_wait3A_420] : memref<50x128xi32, #tpu.memory_space<vmem>> -> memref<1x128xi32, #tpu.memory_space<vmem>>
        %dma_wait3A_422 = tpu.memref_squeeze %dma_wait3A_421 : memref<1x128xi32, #tpu.memory_space<vmem>> -> memref<128xi32, #tpu.memory_space<vmem>>
        %dma_wait3A_423 = arith.constant 0 : i32
        %dma_wait3A_424 = arith.constant 0 : i32
        %dma_wait3A_425 = tpu.memref_slice %arg3[%dma_wait3A_423, %dma_wait3A_424] : memref<100000x64xf32, #tpu.memory_space<hbm>> -> memref<100000x64xf32, #tpu.memory_space<hbm>>
        tpu.wait_indirect_dma semaphore(%arg12 : memref<!tpu.dma_semaphore, #tpu.memory_space<semaphore_mem>>) src(%dma_wait3A_425 : memref<100000x64xf32, #tpu.memory_space<hbm>>) dst(%dma_wait3A_419 : memref<128x64xf32, #tpu.memory_space<vmem>>)
        %dma_start3A_426 = arith.constant 5 : i32
        %dma_start3A_427 = arith.constant 0 : i32
        %dma_start3A_428 = arith.constant 0 : i32
        %dma_start3A_429 = tpu.memref_slice %arg6[%dma_start3A_426, %dma_start3A_427, %dma_start3A_428] : memref<8x128x64xf32, #tpu.memory_space<vmem>> -> memref<1x128x64xf32, #tpu.memory_space<vmem>>
        %dma_start3A_430 = tpu.memref_squeeze %dma_start3A_429 : memref<1x128x64xf32, #tpu.memory_space<vmem>> -> memref<128x64xf32, #tpu.memory_space<vmem>>
        %dma_start3A_431 = arith.constant 0 : i32
        %dma_start3A_432 = arith.constant 0 : i32
        %dma_start3A_433 = tpu.memref_slice %arg4[%scan3A_245, %add3A, %dma_start3A_431, %dma_start3A_432] : memref<50x32x128x64xf32, #tpu.memory_space<hbm>> -> memref<1x1x128x64xf32, #tpu.memory_space<hbm>>
        %dma_start3A_434 = tpu.memref_squeeze %dma_start3A_433 : memref<1x1x128x64xf32, #tpu.memory_space<hbm>> -> memref<128x64xf32, #tpu.memory_space<hbm>>
        %dma_start3A_435 = arith.constant 0 : i32
        %dma_start3A_436 = arith.constant 0 : i32
        %dma_start3A_437 = tpu.memref_slice %arg4[%scan3A_245, %add3A, %dma_start3A_435, %dma_start3A_436] : memref<50x32x128x64xf32, #tpu.memory_space<hbm>> -> memref<1x1x128x64xf32, #tpu.memory_space<hbm>>
        %dma_start3A_438 = tpu.memref_squeeze %dma_start3A_437 : memref<1x1x128x64xf32, #tpu.memory_space<hbm>> -> memref<128x64xf32, #tpu.memory_space<hbm>>
        %dma_start3A_439 = arith.constant 0 : i32
        %dma_start3A_440 = arith.constant 0 : i32
        %dma_start3A_441 = tpu.memref_slice %arg6[%dma_start3A_426, %dma_start3A_439, %dma_start3A_440] : memref<8x128x64xf32, #tpu.memory_space<vmem>> -> memref<1x128x64xf32, #tpu.memory_space<vmem>>
        %dma_start3A_442 = tpu.memref_squeeze %dma_start3A_441 : memref<1x128x64xf32, #tpu.memory_space<vmem>> -> memref<128x64xf32, #tpu.memory_space<vmem>>
        tpu.enqueue_dma source(%dma_start3A_442 : memref<128x64xf32, #tpu.memory_space<vmem>>) target(%dma_start3A_438 : memref<128x64xf32, #tpu.memory_space<hbm>>) target_semaphore(%arg20 : memref<!tpu.dma_semaphore, #tpu.memory_space<semaphore_mem>>)
      } else {
      }
      %jit3A_364 = arith.constant 8 : i32
      %eq3A_365 = arith.constant 0 : i32
      %eq3A_366 = arith.cmpi eq, %jit3A_364, %eq3A_365 : i32
      %jit3A_367 = arith.constant 1 : i32
      %select_n3A_368 = arith.select %eq3A_366, %jit3A_367, %jit3A_364 : i32
      %rem3A_369 = arith.remsi %scan3A_245, %select_n3A_368 : i32
      %ne3A_370 = arith.constant 0 : i32
      %ne3A_371 = arith.cmpi ne, %rem3A_369, %ne3A_370 : i32
      %lt3A_372 = arith.constant 0 : i32
      %lt3A_373 = arith.cmpi slt, %rem3A_369, %lt3A_372 : i32
      %lt3A_374 = arith.constant 0 : i32
      %lt3A_375 = arith.cmpi slt, %select_n3A_368, %lt3A_374 : i32
      %ne3A_376 = arith.xori %lt3A_373, %lt3A_375 : i1
      %and3A_377 = arith.andi %ne3A_376, %ne3A_371 : i1
      %add3A_378 = arith.addi %rem3A_369, %select_n3A_368 : i32
      %select_n3A_379 = arith.select %and3A_377, %add3A_378, %rem3A_369 : i32
      %eq3A_380 = arith.constant 6 : i32
      %eq3A_381 = arith.cmpi eq, %select_n3A_379, %eq3A_380 : i32
      %convert_element_type3A_382 = arith.extui %eq3A_381 : i1 to i32
      %cond3A_383 = arith.constant 0 : i32
      %cond3A_384 = arith.cmpi ne, %convert_element_type3A_382, %cond3A_383 : i32
      scf.if %cond3A_384 {
        %dma_wait3A_414 = arith.constant 0 : i32
        %dma_wait3A_415 = arith.constant 6 : i32
        %dma_wait3A_416 = arith.constant 0 : i32
        %dma_wait3A_417 = arith.constant 0 : i32
        %dma_wait3A_418 = tpu.memref_slice %arg6[%dma_wait3A_415, %dma_wait3A_416, %dma_wait3A_417] : memref<8x128x64xf32, #tpu.memory_space<vmem>> -> memref<1x128x64xf32, #tpu.memory_space<vmem>>
        %dma_wait3A_419 = tpu.memref_squeeze %dma_wait3A_418 : memref<1x128x64xf32, #tpu.memory_space<vmem>> -> memref<128x64xf32, #tpu.memory_space<vmem>>
        %dma_wait3A_420 = arith.constant 0 : i32
        %dma_wait3A_421 = tpu.memref_slice %arg5[%dma_wait3A_414, %dma_wait3A_420] : memref<50x128xi32, #tpu.memory_space<vmem>> -> memref<1x128xi32, #tpu.memory_space<vmem>>
        %dma_wait3A_422 = tpu.memref_squeeze %dma_wait3A_421 : memref<1x128xi32, #tpu.memory_space<vmem>> -> memref<128xi32, #tpu.memory_space<vmem>>
        %dma_wait3A_423 = arith.constant 0 : i32
        %dma_wait3A_424 = arith.constant 0 : i32
        %dma_wait3A_425 = tpu.memref_slice %arg3[%dma_wait3A_423, %dma_wait3A_424] : memref<100000x64xf32, #tpu.memory_space<hbm>> -> memref<100000x64xf32, #tpu.memory_space<hbm>>
        tpu.wait_indirect_dma semaphore(%arg13 : memref<!tpu.dma_semaphore, #tpu.memory_space<semaphore_mem>>) src(%dma_wait3A_425 : memref<100000x64xf32, #tpu.memory_space<hbm>>) dst(%dma_wait3A_419 : memref<128x64xf32, #tpu.memory_space<vmem>>)
        %dma_start3A_426 = arith.constant 6 : i32
        %dma_start3A_427 = arith.constant 0 : i32
        %dma_start3A_428 = arith.constant 0 : i32
        %dma_start3A_429 = tpu.memref_slice %arg6[%dma_start3A_426, %dma_start3A_427, %dma_start3A_428] : memref<8x128x64xf32, #tpu.memory_space<vmem>> -> memref<1x128x64xf32, #tpu.memory_space<vmem>>
        %dma_start3A_430 = tpu.memref_squeeze %dma_start3A_429 : memref<1x128x64xf32, #tpu.memory_space<vmem>> -> memref<128x64xf32, #tpu.memory_space<vmem>>
        %dma_start3A_431 = arith.constant 0 : i32
        %dma_start3A_432 = arith.constant 0 : i32
        %dma_start3A_433 = tpu.memref_slice %arg4[%scan3A_245, %add3A, %dma_start3A_431, %dma_start3A_432] : memref<50x32x128x64xf32, #tpu.memory_space<hbm>> -> memref<1x1x128x64xf32, #tpu.memory_space<hbm>>
        %dma_start3A_434 = tpu.memref_squeeze %dma_start3A_433 : memref<1x1x128x64xf32, #tpu.memory_space<hbm>> -> memref<128x64xf32, #tpu.memory_space<hbm>>
        %dma_start3A_435 = arith.constant 0 : i32
        %dma_start3A_436 = arith.constant 0 : i32
        %dma_start3A_437 = tpu.memref_slice %arg4[%scan3A_245, %add3A, %dma_start3A_435, %dma_start3A_436] : memref<50x32x128x64xf32, #tpu.memory_space<hbm>> -> memref<1x1x128x64xf32, #tpu.memory_space<hbm>>
        %dma_start3A_438 = tpu.memref_squeeze %dma_start3A_437 : memref<1x1x128x64xf32, #tpu.memory_space<hbm>> -> memref<128x64xf32, #tpu.memory_space<hbm>>
        %dma_start3A_439 = arith.constant 0 : i32
        %dma_start3A_440 = arith.constant 0 : i32
        %dma_start3A_441 = tpu.memref_slice %arg6[%dma_start3A_426, %dma_start3A_439, %dma_start3A_440] : memref<8x128x64xf32, #tpu.memory_space<vmem>> -> memref<1x128x64xf32, #tpu.memory_space<vmem>>
        %dma_start3A_442 = tpu.memref_squeeze %dma_start3A_441 : memref<1x128x64xf32, #tpu.memory_space<vmem>> -> memref<128x64xf32, #tpu.memory_space<vmem>>
        tpu.enqueue_dma source(%dma_start3A_442 : memref<128x64xf32, #tpu.memory_space<vmem>>) target(%dma_start3A_438 : memref<128x64xf32, #tpu.memory_space<hbm>>) target_semaphore(%arg21 : memref<!tpu.dma_semaphore, #tpu.memory_space<semaphore_mem>>)
      } else {
      }
      %jit3A_385 = arith.constant 8 : i32
      %eq3A_386 = arith.constant 0 : i32
      %eq3A_387 = arith.cmpi eq, %jit3A_385, %eq3A_386 : i32
      %jit3A_388 = arith.constant 1 : i32
      %select_n3A_389 = arith.select %eq3A_387, %jit3A_388, %jit3A_385 : i32
      %rem3A_390 = arith.remsi %scan3A_245, %select_n3A_389 : i32
      %ne3A_391 = arith.constant 0 : i32
      %ne3A_392 = arith.cmpi ne, %rem3A_390, %ne3A_391 : i32
      %lt3A_393 = arith.constant 0 : i32
      %lt3A_394 = arith.cmpi slt, %rem3A_390, %lt3A_393 : i32
      %lt3A_395 = arith.constant 0 : i32
      %lt3A_396 = arith.cmpi slt, %select_n3A_389, %lt3A_395 : i32
      %ne3A_397 = arith.xori %lt3A_394, %lt3A_396 : i1
      %and3A_398 = arith.andi %ne3A_397, %ne3A_392 : i1
      %add3A_399 = arith.addi %rem3A_390, %select_n3A_389 : i32
      %select_n3A_400 = arith.select %and3A_398, %add3A_399, %rem3A_390 : i32
      %eq3A_401 = arith.constant 7 : i32
      %eq3A_402 = arith.cmpi eq, %select_n3A_400, %eq3A_401 : i32
      %convert_element_type3A_403 = arith.extui %eq3A_402 : i1 to i32
      %cond3A_404 = arith.constant 0 : i32
      %cond3A_405 = arith.cmpi ne, %convert_element_type3A_403, %cond3A_404 : i32
      scf.if %cond3A_405 {
        %dma_wait3A_414 = arith.constant 0 : i32
        %dma_wait3A_415 = arith.constant 7 : i32
        %dma_wait3A_416 = arith.constant 0 : i32
        %dma_wait3A_417 = arith.constant 0 : i32
        %dma_wait3A_418 = tpu.memref_slice %arg6[%dma_wait3A_415, %dma_wait3A_416, %dma_wait3A_417] : memref<8x128x64xf32, #tpu.memory_space<vmem>> -> memref<1x128x64xf32, #tpu.memory_space<vmem>>
        %dma_wait3A_419 = tpu.memref_squeeze %dma_wait3A_418 : memref<1x128x64xf32, #tpu.memory_space<vmem>> -> memref<128x64xf32, #tpu.memory_space<vmem>>
        %dma_wait3A_420 = arith.constant 0 : i32
        %dma_wait3A_421 = tpu.memref_slice %arg5[%dma_wait3A_414, %dma_wait3A_420] : memref<50x128xi32, #tpu.memory_space<vmem>> -> memref<1x128xi32, #tpu.memory_space<vmem>>
        %dma_wait3A_422 = tpu.memref_squeeze %dma_wait3A_421 : memref<1x128xi32, #tpu.memory_space<vmem>> -> memref<128xi32, #tpu.memory_space<vmem>>
        %dma_wait3A_423 = arith.constant 0 : i32
        %dma_wait3A_424 = arith.constant 0 : i32
        %dma_wait3A_425 = tpu.memref_slice %arg3[%dma_wait3A_423, %dma_wait3A_424] : memref<100000x64xf32, #tpu.memory_space<hbm>> -> memref<100000x64xf32, #tpu.memory_space<hbm>>
        tpu.wait_indirect_dma semaphore(%arg14 : memref<!tpu.dma_semaphore, #tpu.memory_space<semaphore_mem>>) src(%dma_wait3A_425 : memref<100000x64xf32, #tpu.memory_space<hbm>>) dst(%dma_wait3A_419 : memref<128x64xf32, #tpu.memory_space<vmem>>)
        %dma_start3A_426 = arith.constant 7 : i32
        %dma_start3A_427 = arith.constant 0 : i32
        %dma_start3A_428 = arith.constant 0 : i32
        %dma_start3A_429 = tpu.memref_slice %arg6[%dma_start3A_426, %dma_start3A_427, %dma_start3A_428] : memref<8x128x64xf32, #tpu.memory_space<vmem>> -> memref<1x128x64xf32, #tpu.memory_space<vmem>>
        %dma_start3A_430 = tpu.memref_squeeze %dma_start3A_429 : memref<1x128x64xf32, #tpu.memory_space<vmem>> -> memref<128x64xf32, #tpu.memory_space<vmem>>
        %dma_start3A_431 = arith.constant 0 : i32
        %dma_start3A_432 = arith.constant 0 : i32
        %dma_start3A_433 = tpu.memref_slice %arg4[%scan3A_245, %add3A, %dma_start3A_431, %dma_start3A_432] : memref<50x32x128x64xf32, #tpu.memory_space<hbm>> -> memref<1x1x128x64xf32, #tpu.memory_space<hbm>>
        %dma_start3A_434 = tpu.memref_squeeze %dma_start3A_433 : memref<1x1x128x64xf32, #tpu.memory_space<hbm>> -> memref<128x64xf32, #tpu.memory_space<hbm>>
        %dma_start3A_435 = arith.constant 0 : i32
        %dma_start3A_436 = arith.constant 0 : i32
        %dma_start3A_437 = tpu.memref_slice %arg4[%scan3A_245, %add3A, %dma_start3A_435, %dma_start3A_436] : memref<50x32x128x64xf32, #tpu.memory_space<hbm>> -> memref<1x1x128x64xf32, #tpu.memory_space<hbm>>
        %dma_start3A_438 = tpu.memref_squeeze %dma_start3A_437 : memref<1x1x128x64xf32, #tpu.memory_space<hbm>> -> memref<128x64xf32, #tpu.memory_space<hbm>>
        %dma_start3A_439 = arith.constant 0 : i32
        %dma_start3A_440 = arith.constant 0 : i32
        %dma_start3A_441 = tpu.memref_slice %arg6[%dma_start3A_426, %dma_start3A_439, %dma_start3A_440] : memref<8x128x64xf32, #tpu.memory_space<vmem>> -> memref<1x128x64xf32, #tpu.memory_space<vmem>>
        %dma_start3A_442 = tpu.memref_squeeze %dma_start3A_441 : memref<1x128x64xf32, #tpu.memory_space<vmem>> -> memref<128x64xf32, #tpu.memory_space<vmem>>
        tpu.enqueue_dma source(%dma_start3A_442 : memref<128x64xf32, #tpu.memory_space<vmem>>) target(%dma_start3A_438 : memref<128x64xf32, #tpu.memory_space<hbm>>) target_semaphore(%arg22 : memref<!tpu.dma_semaphore, #tpu.memory_space<semaphore_mem>>)
      } else {
      }
      %add3A_406 = arith.constant 8 : i32
      %add3A_407 = arith.addi %scan3A_245, %add3A_406 : i32
      %lt3A_408 = arith.constant 50 : i32
      %lt3A_409 = arith.cmpi slt, %add3A_407, %lt3A_408 : i32
      %convert_element_type3A_410 = arith.extui %lt3A_409 : i1 to i32
      %cond3A_411 = arith.constant 0 : i32
      %cond3A_412 = arith.cmpi ne, %convert_element_type3A_410, %cond3A_411 : i32
      scf.if %cond3A_412 {
        %jit3A_414 = arith.constant 8 : i32
        %eq3A_415 = arith.constant 0 : i32
        %eq3A_416 = arith.cmpi eq, %jit3A_414, %eq3A_415 : i32
        %jit3A_417 = arith.constant 1 : i32
        %select_n3A_418 = arith.select %eq3A_416, %jit3A_417, %jit3A_414 : i32
        %rem3A_419 = arith.remsi %scan3A_245, %select_n3A_418 : i32
        %ne3A_420 = arith.constant 0 : i32
        %ne3A_421 = arith.cmpi ne, %rem3A_419, %ne3A_420 : i32
        %lt3A_422 = arith.constant 0 : i32
        %lt3A_423 = arith.cmpi slt, %rem3A_419, %lt3A_422 : i32
        %lt3A_424 = arith.constant 0 : i32
        %lt3A_425 = arith.cmpi slt, %select_n3A_418, %lt3A_424 : i32
        %ne3A_426 = arith.xori %lt3A_423, %lt3A_425 : i1
        %and3A_427 = arith.andi %ne3A_426, %ne3A_421 : i1
        %add3A_428 = arith.addi %rem3A_419, %select_n3A_418 : i32
        %select_n3A_429 = arith.select %and3A_427, %add3A_428, %rem3A_419 : i32
        %eq3A_430 = arith.constant 0 : i32
        %eq3A_431 = arith.cmpi eq, %select_n3A_429, %eq3A_430 : i32
        %convert_element_type3A_432 = arith.extui %eq3A_431 : i1 to i32
        %cond3A_433 = arith.constant 0 : i32
        %cond3A_434 = arith.cmpi ne, %convert_element_type3A_432, %cond3A_433 : i32
        scf.if %cond3A_434 {
          %dma_wait3A_582 = arith.constant 0 : i32
          %dma_wait3A_583 = arith.constant 0 : i32
          %dma_wait3A_584 = arith.constant 0 : i32
          %dma_wait3A_585 = arith.constant 0 : i32
          %dma_wait3A_586 = tpu.memref_slice %arg6[%dma_wait3A_582, %dma_wait3A_584, %dma_wait3A_585] : memref<8x128x64xf32, #tpu.memory_space<vmem>> -> memref<1x128x64xf32, #tpu.memory_space<vmem>>
          %dma_wait3A_587 = tpu.memref_squeeze %dma_wait3A_586 : memref<1x128x64xf32, #tpu.memory_space<vmem>> -> memref<128x64xf32, #tpu.memory_space<vmem>>
          %dma_wait3A_588 = arith.constant 0 : i32
          %dma_wait3A_589 = arith.constant 0 : i32
          %dma_wait3A_590 = tpu.memref_slice %arg4[%dma_wait3A_583, %add3A, %dma_wait3A_588, %dma_wait3A_589] : memref<50x32x128x64xf32, #tpu.memory_space<hbm>> -> memref<1x1x128x64xf32, #tpu.memory_space<hbm>>
          %dma_wait3A_591 = tpu.memref_squeeze %dma_wait3A_590 : memref<1x1x128x64xf32, #tpu.memory_space<hbm>> -> memref<128x64xf32, #tpu.memory_space<hbm>>
          %dma_wait3A_592 = arith.constant 0 : i32
          %dma_wait3A_593 = arith.constant 0 : i32
          %dma_wait3A_594 = tpu.memref_slice %arg4[%dma_wait3A_583, %add3A, %dma_wait3A_592, %dma_wait3A_593] : memref<50x32x128x64xf32, #tpu.memory_space<hbm>> -> memref<1x1x128x64xf32, #tpu.memory_space<hbm>>
          %dma_wait3A_595 = tpu.memref_squeeze %dma_wait3A_594 : memref<1x1x128x64xf32, #tpu.memory_space<hbm>> -> memref<128x64xf32, #tpu.memory_space<hbm>>
          %dma_wait3A_596 = arith.constant 0 : i32
          %dma_wait3A_597 = arith.constant 0 : i32
          %dma_wait3A_598 = tpu.memref_slice %arg6[%dma_wait3A_582, %dma_wait3A_596, %dma_wait3A_597] : memref<8x128x64xf32, #tpu.memory_space<vmem>> -> memref<1x128x64xf32, #tpu.memory_space<vmem>>
          %dma_wait3A_599 = tpu.memref_squeeze %dma_wait3A_598 : memref<1x128x64xf32, #tpu.memory_space<vmem>> -> memref<128x64xf32, #tpu.memory_space<vmem>>
          tpu.wait_dma2 semaphore(%arg15 : memref<!tpu.dma_semaphore, #tpu.memory_space<semaphore_mem>>) src(%dma_wait3A_599 : memref<128x64xf32, #tpu.memory_space<vmem>>) dst(%dma_wait3A_595 : memref<128x64xf32, #tpu.memory_space<hbm>>)
          %add3A_600 = arith.constant 8 : i32
          %add3A_601 = arith.addi %scan3A_245, %add3A_600 : i32
          %dma_start3A_602 = arith.constant 0 : i32
          %dma_start3A_603 = arith.constant 0 : i32
          %dma_start3A_604 = arith.constant 0 : i32
          %dma_start3A_605 = tpu.memref_slice %arg6[%dma_start3A_602, %dma_start3A_603, %dma_start3A_604] : memref<8x128x64xf32, #tpu.memory_space<vmem>> -> memref<1x128x64xf32, #tpu.memory_space<vmem>>
          %dma_start3A_606 = tpu.memref_squeeze %dma_start3A_605 : memref<1x128x64xf32, #tpu.memory_space<vmem>> -> memref<128x64xf32, #tpu.memory_space<vmem>>
          %dma_start3A_607 = arith.constant 0 : i32
          %dma_start3A_608 = tpu.memref_slice %arg5[%add3A_601, %dma_start3A_607] : memref<50x128xi32, #tpu.memory_space<vmem>> -> memref<1x128xi32, #tpu.memory_space<vmem>>
          %dma_start3A_609 = tpu.memref_squeeze %dma_start3A_608 : memref<1x128xi32, #tpu.memory_space<vmem>> -> memref<128xi32, #tpu.memory_space<vmem>>
          %dma_start3A_610 = arith.constant 0 : i32
          %dma_start3A_611 = arith.constant 0 : i32
          %dma_start3A_612 = tpu.memref_slice %arg3[%dma_start3A_610, %dma_start3A_611] : memref<100000x64xf32, #tpu.memory_space<hbm>> -> memref<100000x64xf32, #tpu.memory_space<hbm>>
          tpu.enqueue_indirect_dma source(%dma_start3A_612 : memref<100000x64xf32, #tpu.memory_space<hbm>>) target(%dma_start3A_606 : memref<128x64xf32, #tpu.memory_space<vmem>>) offsets(%dma_start3A_609 : memref<128xi32, #tpu.memory_space<vmem>>) semaphore(%arg7 : memref<!tpu.dma_semaphore, #tpu.memory_space<semaphore_mem>>)
        } else {
        }
        %jit3A_435 = arith.constant 8 : i32
        %eq3A_436 = arith.constant 0 : i32
        %eq3A_437 = arith.cmpi eq, %jit3A_435, %eq3A_436 : i32
        %jit3A_438 = arith.constant 1 : i32
        %select_n3A_439 = arith.select %eq3A_437, %jit3A_438, %jit3A_435 : i32
        %rem3A_440 = arith.remsi %scan3A_245, %select_n3A_439 : i32
        %ne3A_441 = arith.constant 0 : i32
        %ne3A_442 = arith.cmpi ne, %rem3A_440, %ne3A_441 : i32
        %lt3A_443 = arith.constant 0 : i32
        %lt3A_444 = arith.cmpi slt, %rem3A_440, %lt3A_443 : i32
        %lt3A_445 = arith.constant 0 : i32
        %lt3A_446 = arith.cmpi slt, %select_n3A_439, %lt3A_445 : i32
        %ne3A_447 = arith.xori %lt3A_444, %lt3A_446 : i1
        %and3A_448 = arith.andi %ne3A_447, %ne3A_442 : i1
        %add3A_449 = arith.addi %rem3A_440, %select_n3A_439 : i32
        %select_n3A_450 = arith.select %and3A_448, %add3A_449, %rem3A_440 : i32
        %eq3A_451 = arith.constant 1 : i32
        %eq3A_452 = arith.cmpi eq, %select_n3A_450, %eq3A_451 : i32
        %convert_element_type3A_453 = arith.extui %eq3A_452 : i1 to i32
        %cond3A_454 = arith.constant 0 : i32
        %cond3A_455 = arith.cmpi ne, %convert_element_type3A_453, %cond3A_454 : i32
        scf.if %cond3A_455 {
          %dma_wait3A_582 = arith.constant 1 : i32
          %dma_wait3A_583 = arith.constant 0 : i32
          %dma_wait3A_584 = arith.constant 0 : i32
          %dma_wait3A_585 = arith.constant 0 : i32
          %dma_wait3A_586 = tpu.memref_slice %arg6[%dma_wait3A_582, %dma_wait3A_584, %dma_wait3A_585] : memref<8x128x64xf32, #tpu.memory_space<vmem>> -> memref<1x128x64xf32, #tpu.memory_space<vmem>>
          %dma_wait3A_587 = tpu.memref_squeeze %dma_wait3A_586 : memref<1x128x64xf32, #tpu.memory_space<vmem>> -> memref<128x64xf32, #tpu.memory_space<vmem>>
          %dma_wait3A_588 = arith.constant 0 : i32
          %dma_wait3A_589 = arith.constant 0 : i32
          %dma_wait3A_590 = tpu.memref_slice %arg4[%dma_wait3A_583, %add3A, %dma_wait3A_588, %dma_wait3A_589] : memref<50x32x128x64xf32, #tpu.memory_space<hbm>> -> memref<1x1x128x64xf32, #tpu.memory_space<hbm>>
          %dma_wait3A_591 = tpu.memref_squeeze %dma_wait3A_590 : memref<1x1x128x64xf32, #tpu.memory_space<hbm>> -> memref<128x64xf32, #tpu.memory_space<hbm>>
          %dma_wait3A_592 = arith.constant 0 : i32
          %dma_wait3A_593 = arith.constant 0 : i32
          %dma_wait3A_594 = tpu.memref_slice %arg4[%dma_wait3A_583, %add3A, %dma_wait3A_592, %dma_wait3A_593] : memref<50x32x128x64xf32, #tpu.memory_space<hbm>> -> memref<1x1x128x64xf32, #tpu.memory_space<hbm>>
          %dma_wait3A_595 = tpu.memref_squeeze %dma_wait3A_594 : memref<1x1x128x64xf32, #tpu.memory_space<hbm>> -> memref<128x64xf32, #tpu.memory_space<hbm>>
          %dma_wait3A_596 = arith.constant 0 : i32
          %dma_wait3A_597 = arith.constant 0 : i32
          %dma_wait3A_598 = tpu.memref_slice %arg6[%dma_wait3A_582, %dma_wait3A_596, %dma_wait3A_597] : memref<8x128x64xf32, #tpu.memory_space<vmem>> -> memref<1x128x64xf32, #tpu.memory_space<vmem>>
          %dma_wait3A_599 = tpu.memref_squeeze %dma_wait3A_598 : memref<1x128x64xf32, #tpu.memory_space<vmem>> -> memref<128x64xf32, #tpu.memory_space<vmem>>
          tpu.wait_dma2 semaphore(%arg16 : memref<!tpu.dma_semaphore, #tpu.memory_space<semaphore_mem>>) src(%dma_wait3A_599 : memref<128x64xf32, #tpu.memory_space<vmem>>) dst(%dma_wait3A_595 : memref<128x64xf32, #tpu.memory_space<hbm>>)
          %add3A_600 = arith.constant 8 : i32
          %add3A_601 = arith.addi %scan3A_245, %add3A_600 : i32
          %dma_start3A_602 = arith.constant 1 : i32
          %dma_start3A_603 = arith.constant 0 : i32
          %dma_start3A_604 = arith.constant 0 : i32
          %dma_start3A_605 = tpu.memref_slice %arg6[%dma_start3A_602, %dma_start3A_603, %dma_start3A_604] : memref<8x128x64xf32, #tpu.memory_space<vmem>> -> memref<1x128x64xf32, #tpu.memory_space<vmem>>
          %dma_start3A_606 = tpu.memref_squeeze %dma_start3A_605 : memref<1x128x64xf32, #tpu.memory_space<vmem>> -> memref<128x64xf32, #tpu.memory_space<vmem>>
          %dma_start3A_607 = arith.constant 0 : i32
          %dma_start3A_608 = tpu.memref_slice %arg5[%add3A_601, %dma_start3A_607] : memref<50x128xi32, #tpu.memory_space<vmem>> -> memref<1x128xi32, #tpu.memory_space<vmem>>
          %dma_start3A_609 = tpu.memref_squeeze %dma_start3A_608 : memref<1x128xi32, #tpu.memory_space<vmem>> -> memref<128xi32, #tpu.memory_space<vmem>>
          %dma_start3A_610 = arith.constant 0 : i32
          %dma_start3A_611 = arith.constant 0 : i32
          %dma_start3A_612 = tpu.memref_slice %arg3[%dma_start3A_610, %dma_start3A_611] : memref<100000x64xf32, #tpu.memory_space<hbm>> -> memref<100000x64xf32, #tpu.memory_space<hbm>>
          tpu.enqueue_indirect_dma source(%dma_start3A_612 : memref<100000x64xf32, #tpu.memory_space<hbm>>) target(%dma_start3A_606 : memref<128x64xf32, #tpu.memory_space<vmem>>) offsets(%dma_start3A_609 : memref<128xi32, #tpu.memory_space<vmem>>) semaphore(%arg8 : memref<!tpu.dma_semaphore, #tpu.memory_space<semaphore_mem>>)
        } else {
        }
        %jit3A_456 = arith.constant 8 : i32
        %eq3A_457 = arith.constant 0 : i32
        %eq3A_458 = arith.cmpi eq, %jit3A_456, %eq3A_457 : i32
        %jit3A_459 = arith.constant 1 : i32
        %select_n3A_460 = arith.select %eq3A_458, %jit3A_459, %jit3A_456 : i32
        %rem3A_461 = arith.remsi %scan3A_245, %select_n3A_460 : i32
        %ne3A_462 = arith.constant 0 : i32
        %ne3A_463 = arith.cmpi ne, %rem3A_461, %ne3A_462 : i32
        %lt3A_464 = arith.constant 0 : i32
        %lt3A_465 = arith.cmpi slt, %rem3A_461, %lt3A_464 : i32
        %lt3A_466 = arith.constant 0 : i32
        %lt3A_467 = arith.cmpi slt, %select_n3A_460, %lt3A_466 : i32
        %ne3A_468 = arith.xori %lt3A_465, %lt3A_467 : i1
        %and3A_469 = arith.andi %ne3A_468, %ne3A_463 : i1
        %add3A_470 = arith.addi %rem3A_461, %select_n3A_460 : i32
        %select_n3A_471 = arith.select %and3A_469, %add3A_470, %rem3A_461 : i32
        %eq3A_472 = arith.constant 2 : i32
        %eq3A_473 = arith.cmpi eq, %select_n3A_471, %eq3A_472 : i32
        %convert_element_type3A_474 = arith.extui %eq3A_473 : i1 to i32
        %cond3A_475 = arith.constant 0 : i32
        %cond3A_476 = arith.cmpi ne, %convert_element_type3A_474, %cond3A_475 : i32
        scf.if %cond3A_476 {
          %dma_wait3A_582 = arith.constant 2 : i32
          %dma_wait3A_583 = arith.constant 0 : i32
          %dma_wait3A_584 = arith.constant 0 : i32
          %dma_wait3A_585 = arith.constant 0 : i32
          %dma_wait3A_586 = tpu.memref_slice %arg6[%dma_wait3A_582, %dma_wait3A_584, %dma_wait3A_585] : memref<8x128x64xf32, #tpu.memory_space<vmem>> -> memref<1x128x64xf32, #tpu.memory_space<vmem>>
          %dma_wait3A_587 = tpu.memref_squeeze %dma_wait3A_586 : memref<1x128x64xf32, #tpu.memory_space<vmem>> -> memref<128x64xf32, #tpu.memory_space<vmem>>
          %dma_wait3A_588 = arith.constant 0 : i32
          %dma_wait3A_589 = arith.constant 0 : i32
          %dma_wait3A_590 = tpu.memref_slice %arg4[%dma_wait3A_583, %add3A, %dma_wait3A_588, %dma_wait3A_589] : memref<50x32x128x64xf32, #tpu.memory_space<hbm>> -> memref<1x1x128x64xf32, #tpu.memory_space<hbm>>
          %dma_wait3A_591 = tpu.memref_squeeze %dma_wait3A_590 : memref<1x1x128x64xf32, #tpu.memory_space<hbm>> -> memref<128x64xf32, #tpu.memory_space<hbm>>
          %dma_wait3A_592 = arith.constant 0 : i32
          %dma_wait3A_593 = arith.constant 0 : i32
          %dma_wait3A_594 = tpu.memref_slice %arg4[%dma_wait3A_583, %add3A, %dma_wait3A_592, %dma_wait3A_593] : memref<50x32x128x64xf32, #tpu.memory_space<hbm>> -> memref<1x1x128x64xf32, #tpu.memory_space<hbm>>
          %dma_wait3A_595 = tpu.memref_squeeze %dma_wait3A_594 : memref<1x1x128x64xf32, #tpu.memory_space<hbm>> -> memref<128x64xf32, #tpu.memory_space<hbm>>
          %dma_wait3A_596 = arith.constant 0 : i32
          %dma_wait3A_597 = arith.constant 0 : i32
          %dma_wait3A_598 = tpu.memref_slice %arg6[%dma_wait3A_582, %dma_wait3A_596, %dma_wait3A_597] : memref<8x128x64xf32, #tpu.memory_space<vmem>> -> memref<1x128x64xf32, #tpu.memory_space<vmem>>
          %dma_wait3A_599 = tpu.memref_squeeze %dma_wait3A_598 : memref<1x128x64xf32, #tpu.memory_space<vmem>> -> memref<128x64xf32, #tpu.memory_space<vmem>>
          tpu.wait_dma2 semaphore(%arg17 : memref<!tpu.dma_semaphore, #tpu.memory_space<semaphore_mem>>) src(%dma_wait3A_599 : memref<128x64xf32, #tpu.memory_space<vmem>>) dst(%dma_wait3A_595 : memref<128x64xf32, #tpu.memory_space<hbm>>)
          %add3A_600 = arith.constant 8 : i32
          %add3A_601 = arith.addi %scan3A_245, %add3A_600 : i32
          %dma_start3A_602 = arith.constant 2 : i32
          %dma_start3A_603 = arith.constant 0 : i32
          %dma_start3A_604 = arith.constant 0 : i32
          %dma_start3A_605 = tpu.memref_slice %arg6[%dma_start3A_602, %dma_start3A_603, %dma_start3A_604] : memref<8x128x64xf32, #tpu.memory_space<vmem>> -> memref<1x128x64xf32, #tpu.memory_space<vmem>>
          %dma_start3A_606 = tpu.memref_squeeze %dma_start3A_605 : memref<1x128x64xf32, #tpu.memory_space<vmem>> -> memref<128x64xf32, #tpu.memory_space<vmem>>
          %dma_start3A_607 = arith.constant 0 : i32
          %dma_start3A_608 = tpu.memref_slice %arg5[%add3A_601, %dma_start3A_607] : memref<50x128xi32, #tpu.memory_space<vmem>> -> memref<1x128xi32, #tpu.memory_space<vmem>>
          %dma_start3A_609 = tpu.memref_squeeze %dma_start3A_608 : memref<1x128xi32, #tpu.memory_space<vmem>> -> memref<128xi32, #tpu.memory_space<vmem>>
          %dma_start3A_610 = arith.constant 0 : i32
          %dma_start3A_611 = arith.constant 0 : i32
          %dma_start3A_612 = tpu.memref_slice %arg3[%dma_start3A_610, %dma_start3A_611] : memref<100000x64xf32, #tpu.memory_space<hbm>> -> memref<100000x64xf32, #tpu.memory_space<hbm>>
          tpu.enqueue_indirect_dma source(%dma_start3A_612 : memref<100000x64xf32, #tpu.memory_space<hbm>>) target(%dma_start3A_606 : memref<128x64xf32, #tpu.memory_space<vmem>>) offsets(%dma_start3A_609 : memref<128xi32, #tpu.memory_space<vmem>>) semaphore(%arg9 : memref<!tpu.dma_semaphore, #tpu.memory_space<semaphore_mem>>)
        } else {
        }
        %jit3A_477 = arith.constant 8 : i32
        %eq3A_478 = arith.constant 0 : i32
        %eq3A_479 = arith.cmpi eq, %jit3A_477, %eq3A_478 : i32
        %jit3A_480 = arith.constant 1 : i32
        %select_n3A_481 = arith.select %eq3A_479, %jit3A_480, %jit3A_477 : i32
        %rem3A_482 = arith.remsi %scan3A_245, %select_n3A_481 : i32
        %ne3A_483 = arith.constant 0 : i32
        %ne3A_484 = arith.cmpi ne, %rem3A_482, %ne3A_483 : i32
        %lt3A_485 = arith.constant 0 : i32
        %lt3A_486 = arith.cmpi slt, %rem3A_482, %lt3A_485 : i32
        %lt3A_487 = arith.constant 0 : i32
        %lt3A_488 = arith.cmpi slt, %select_n3A_481, %lt3A_487 : i32
        %ne3A_489 = arith.xori %lt3A_486, %lt3A_488 : i1
        %and3A_490 = arith.andi %ne3A_489, %ne3A_484 : i1
        %add3A_491 = arith.addi %rem3A_482, %select_n3A_481 : i32
        %select_n3A_492 = arith.select %and3A_490, %add3A_491, %rem3A_482 : i32
        %eq3A_493 = arith.constant 3 : i32
        %eq3A_494 = arith.cmpi eq, %select_n3A_492, %eq3A_493 : i32
        %convert_element_type3A_495 = arith.extui %eq3A_494 : i1 to i32
        %cond3A_496 = arith.constant 0 : i32
        %cond3A_497 = arith.cmpi ne, %convert_element_type3A_495, %cond3A_496 : i32
        scf.if %cond3A_497 {
          %dma_wait3A_582 = arith.constant 3 : i32
          %dma_wait3A_583 = arith.constant 0 : i32
          %dma_wait3A_584 = arith.constant 0 : i32
          %dma_wait3A_585 = arith.constant 0 : i32
          %dma_wait3A_586 = tpu.memref_slice %arg6[%dma_wait3A_582, %dma_wait3A_584, %dma_wait3A_585] : memref<8x128x64xf32, #tpu.memory_space<vmem>> -> memref<1x128x64xf32, #tpu.memory_space<vmem>>
          %dma_wait3A_587 = tpu.memref_squeeze %dma_wait3A_586 : memref<1x128x64xf32, #tpu.memory_space<vmem>> -> memref<128x64xf32, #tpu.memory_space<vmem>>
          %dma_wait3A_588 = arith.constant 0 : i32
          %dma_wait3A_589 = arith.constant 0 : i32
          %dma_wait3A_590 = tpu.memref_slice %arg4[%dma_wait3A_583, %add3A, %dma_wait3A_588, %dma_wait3A_589] : memref<50x32x128x64xf32, #tpu.memory_space<hbm>> -> memref<1x1x128x64xf32, #tpu.memory_space<hbm>>
          %dma_wait3A_591 = tpu.memref_squeeze %dma_wait3A_590 : memref<1x1x128x64xf32, #tpu.memory_space<hbm>> -> memref<128x64xf32, #tpu.memory_space<hbm>>
          %dma_wait3A_592 = arith.constant 0 : i32
          %dma_wait3A_593 = arith.constant 0 : i32
          %dma_wait3A_594 = tpu.memref_slice %arg4[%dma_wait3A_583, %add3A, %dma_wait3A_592, %dma_wait3A_593] : memref<50x32x128x64xf32, #tpu.memory_space<hbm>> -> memref<1x1x128x64xf32, #tpu.memory_space<hbm>>
          %dma_wait3A_595 = tpu.memref_squeeze %dma_wait3A_594 : memref<1x1x128x64xf32, #tpu.memory_space<hbm>> -> memref<128x64xf32, #tpu.memory_space<hbm>>
          %dma_wait3A_596 = arith.constant 0 : i32
          %dma_wait3A_597 = arith.constant 0 : i32
          %dma_wait3A_598 = tpu.memref_slice %arg6[%dma_wait3A_582, %dma_wait3A_596, %dma_wait3A_597] : memref<8x128x64xf32, #tpu.memory_space<vmem>> -> memref<1x128x64xf32, #tpu.memory_space<vmem>>
          %dma_wait3A_599 = tpu.memref_squeeze %dma_wait3A_598 : memref<1x128x64xf32, #tpu.memory_space<vmem>> -> memref<128x64xf32, #tpu.memory_space<vmem>>
          tpu.wait_dma2 semaphore(%arg18 : memref<!tpu.dma_semaphore, #tpu.memory_space<semaphore_mem>>) src(%dma_wait3A_599 : memref<128x64xf32, #tpu.memory_space<vmem>>) dst(%dma_wait3A_595 : memref<128x64xf32, #tpu.memory_space<hbm>>)
          %add3A_600 = arith.constant 8 : i32
          %add3A_601 = arith.addi %scan3A_245, %add3A_600 : i32
          %dma_start3A_602 = arith.constant 3 : i32
          %dma_start3A_603 = arith.constant 0 : i32
          %dma_start3A_604 = arith.constant 0 : i32
          %dma_start3A_605 = tpu.memref_slice %arg6[%dma_start3A_602, %dma_start3A_603, %dma_start3A_604] : memref<8x128x64xf32, #tpu.memory_space<vmem>> -> memref<1x128x64xf32, #tpu.memory_space<vmem>>
          %dma_start3A_606 = tpu.memref_squeeze %dma_start3A_605 : memref<1x128x64xf32, #tpu.memory_space<vmem>> -> memref<128x64xf32, #tpu.memory_space<vmem>>
          %dma_start3A_607 = arith.constant 0 : i32
          %dma_start3A_608 = tpu.memref_slice %arg5[%add3A_601, %dma_start3A_607] : memref<50x128xi32, #tpu.memory_space<vmem>> -> memref<1x128xi32, #tpu.memory_space<vmem>>
          %dma_start3A_609 = tpu.memref_squeeze %dma_start3A_608 : memref<1x128xi32, #tpu.memory_space<vmem>> -> memref<128xi32, #tpu.memory_space<vmem>>
          %dma_start3A_610 = arith.constant 0 : i32
          %dma_start3A_611 = arith.constant 0 : i32
          %dma_start3A_612 = tpu.memref_slice %arg3[%dma_start3A_610, %dma_start3A_611] : memref<100000x64xf32, #tpu.memory_space<hbm>> -> memref<100000x64xf32, #tpu.memory_space<hbm>>
          tpu.enqueue_indirect_dma source(%dma_start3A_612 : memref<100000x64xf32, #tpu.memory_space<hbm>>) target(%dma_start3A_606 : memref<128x64xf32, #tpu.memory_space<vmem>>) offsets(%dma_start3A_609 : memref<128xi32, #tpu.memory_space<vmem>>) semaphore(%arg10 : memref<!tpu.dma_semaphore, #tpu.memory_space<semaphore_mem>>)
        } else {
        }
        %jit3A_498 = arith.constant 8 : i32
        %eq3A_499 = arith.constant 0 : i32
        %eq3A_500 = arith.cmpi eq, %jit3A_498, %eq3A_499 : i32
        %jit3A_501 = arith.constant 1 : i32
        %select_n3A_502 = arith.select %eq3A_500, %jit3A_501, %jit3A_498 : i32
        %rem3A_503 = arith.remsi %scan3A_245, %select_n3A_502 : i32
        %ne3A_504 = arith.constant 0 : i32
        %ne3A_505 = arith.cmpi ne, %rem3A_503, %ne3A_504 : i32
        %lt3A_506 = arith.constant 0 : i32
        %lt3A_507 = arith.cmpi slt, %rem3A_503, %lt3A_506 : i32
        %lt3A_508 = arith.constant 0 : i32
        %lt3A_509 = arith.cmpi slt, %select_n3A_502, %lt3A_508 : i32
        %ne3A_510 = arith.xori %lt3A_507, %lt3A_509 : i1
        %and3A_511 = arith.andi %ne3A_510, %ne3A_505 : i1
        %add3A_512 = arith.addi %rem3A_503, %select_n3A_502 : i32
        %select_n3A_513 = arith.select %and3A_511, %add3A_512, %rem3A_503 : i32
        %eq3A_514 = arith.constant 4 : i32
        %eq3A_515 = arith.cmpi eq, %select_n3A_513, %eq3A_514 : i32
        %convert_element_type3A_516 = arith.extui %eq3A_515 : i1 to i32
        %cond3A_517 = arith.constant 0 : i32
        %cond3A_518 = arith.cmpi ne, %convert_element_type3A_516, %cond3A_517 : i32
        scf.if %cond3A_518 {
          %dma_wait3A_582 = arith.constant 4 : i32
          %dma_wait3A_583 = arith.constant 0 : i32
          %dma_wait3A_584 = arith.constant 0 : i32
          %dma_wait3A_585 = arith.constant 0 : i32
          %dma_wait3A_586 = tpu.memref_slice %arg6[%dma_wait3A_582, %dma_wait3A_584, %dma_wait3A_585] : memref<8x128x64xf32, #tpu.memory_space<vmem>> -> memref<1x128x64xf32, #tpu.memory_space<vmem>>
          %dma_wait3A_587 = tpu.memref_squeeze %dma_wait3A_586 : memref<1x128x64xf32, #tpu.memory_space<vmem>> -> memref<128x64xf32, #tpu.memory_space<vmem>>
          %dma_wait3A_588 = arith.constant 0 : i32
          %dma_wait3A_589 = arith.constant 0 : i32
          %dma_wait3A_590 = tpu.memref_slice %arg4[%dma_wait3A_583, %add3A, %dma_wait3A_588, %dma_wait3A_589] : memref<50x32x128x64xf32, #tpu.memory_space<hbm>> -> memref<1x1x128x64xf32, #tpu.memory_space<hbm>>
          %dma_wait3A_591 = tpu.memref_squeeze %dma_wait3A_590 : memref<1x1x128x64xf32, #tpu.memory_space<hbm>> -> memref<128x64xf32, #tpu.memory_space<hbm>>
          %dma_wait3A_592 = arith.constant 0 : i32
          %dma_wait3A_593 = arith.constant 0 : i32
          %dma_wait3A_594 = tpu.memref_slice %arg4[%dma_wait3A_583, %add3A, %dma_wait3A_592, %dma_wait3A_593] : memref<50x32x128x64xf32, #tpu.memory_space<hbm>> -> memref<1x1x128x64xf32, #tpu.memory_space<hbm>>
          %dma_wait3A_595 = tpu.memref_squeeze %dma_wait3A_594 : memref<1x1x128x64xf32, #tpu.memory_space<hbm>> -> memref<128x64xf32, #tpu.memory_space<hbm>>
          %dma_wait3A_596 = arith.constant 0 : i32
          %dma_wait3A_597 = arith.constant 0 : i32
          %dma_wait3A_598 = tpu.memref_slice %arg6[%dma_wait3A_582, %dma_wait3A_596, %dma_wait3A_597] : memref<8x128x64xf32, #tpu.memory_space<vmem>> -> memref<1x128x64xf32, #tpu.memory_space<vmem>>
          %dma_wait3A_599 = tpu.memref_squeeze %dma_wait3A_598 : memref<1x128x64xf32, #tpu.memory_space<vmem>> -> memref<128x64xf32, #tpu.memory_space<vmem>>
          tpu.wait_dma2 semaphore(%arg19 : memref<!tpu.dma_semaphore, #tpu.memory_space<semaphore_mem>>) src(%dma_wait3A_599 : memref<128x64xf32, #tpu.memory_space<vmem>>) dst(%dma_wait3A_595 : memref<128x64xf32, #tpu.memory_space<hbm>>)
          %add3A_600 = arith.constant 8 : i32
          %add3A_601 = arith.addi %scan3A_245, %add3A_600 : i32
          %dma_start3A_602 = arith.constant 4 : i32
          %dma_start3A_603 = arith.constant 0 : i32
          %dma_start3A_604 = arith.constant 0 : i32
          %dma_start3A_605 = tpu.memref_slice %arg6[%dma_start3A_602, %dma_start3A_603, %dma_start3A_604] : memref<8x128x64xf32, #tpu.memory_space<vmem>> -> memref<1x128x64xf32, #tpu.memory_space<vmem>>
          %dma_start3A_606 = tpu.memref_squeeze %dma_start3A_605 : memref<1x128x64xf32, #tpu.memory_space<vmem>> -> memref<128x64xf32, #tpu.memory_space<vmem>>
          %dma_start3A_607 = arith.constant 0 : i32
          %dma_start3A_608 = tpu.memref_slice %arg5[%add3A_601, %dma_start3A_607] : memref<50x128xi32, #tpu.memory_space<vmem>> -> memref<1x128xi32, #tpu.memory_space<vmem>>
          %dma_start3A_609 = tpu.memref_squeeze %dma_start3A_608 : memref<1x128xi32, #tpu.memory_space<vmem>> -> memref<128xi32, #tpu.memory_space<vmem>>
          %dma_start3A_610 = arith.constant 0 : i32
          %dma_start3A_611 = arith.constant 0 : i32
          %dma_start3A_612 = tpu.memref_slice %arg3[%dma_start3A_610, %dma_start3A_611] : memref<100000x64xf32, #tpu.memory_space<hbm>> -> memref<100000x64xf32, #tpu.memory_space<hbm>>
          tpu.enqueue_indirect_dma source(%dma_start3A_612 : memref<100000x64xf32, #tpu.memory_space<hbm>>) target(%dma_start3A_606 : memref<128x64xf32, #tpu.memory_space<vmem>>) offsets(%dma_start3A_609 : memref<128xi32, #tpu.memory_space<vmem>>) semaphore(%arg11 : memref<!tpu.dma_semaphore, #tpu.memory_space<semaphore_mem>>)
        } else {
        }
        %jit3A_519 = arith.constant 8 : i32
        %eq3A_520 = arith.constant 0 : i32
        %eq3A_521 = arith.cmpi eq, %jit3A_519, %eq3A_520 : i32
        %jit3A_522 = arith.constant 1 : i32
        %select_n3A_523 = arith.select %eq3A_521, %jit3A_522, %jit3A_519 : i32
        %rem3A_524 = arith.remsi %scan3A_245, %select_n3A_523 : i32
        %ne3A_525 = arith.constant 0 : i32
        %ne3A_526 = arith.cmpi ne, %rem3A_524, %ne3A_525 : i32
        %lt3A_527 = arith.constant 0 : i32
        %lt3A_528 = arith.cmpi slt, %rem3A_524, %lt3A_527 : i32
        %lt3A_529 = arith.constant 0 : i32
        %lt3A_530 = arith.cmpi slt, %select_n3A_523, %lt3A_529 : i32
        %ne3A_531 = arith.xori %lt3A_528, %lt3A_530 : i1
        %and3A_532 = arith.andi %ne3A_531, %ne3A_526 : i1
        %add3A_533 = arith.addi %rem3A_524, %select_n3A_523 : i32
        %select_n3A_534 = arith.select %and3A_532, %add3A_533, %rem3A_524 : i32
        %eq3A_535 = arith.constant 5 : i32
        %eq3A_536 = arith.cmpi eq, %select_n3A_534, %eq3A_535 : i32
        %convert_element_type3A_537 = arith.extui %eq3A_536 : i1 to i32
        %cond3A_538 = arith.constant 0 : i32
        %cond3A_539 = arith.cmpi ne, %convert_element_type3A_537, %cond3A_538 : i32
        scf.if %cond3A_539 {
          %dma_wait3A_582 = arith.constant 5 : i32
          %dma_wait3A_583 = arith.constant 0 : i32
          %dma_wait3A_584 = arith.constant 0 : i32
          %dma_wait3A_585 = arith.constant 0 : i32
          %dma_wait3A_586 = tpu.memref_slice %arg6[%dma_wait3A_582, %dma_wait3A_584, %dma_wait3A_585] : memref<8x128x64xf32, #tpu.memory_space<vmem>> -> memref<1x128x64xf32, #tpu.memory_space<vmem>>
          %dma_wait3A_587 = tpu.memref_squeeze %dma_wait3A_586 : memref<1x128x64xf32, #tpu.memory_space<vmem>> -> memref<128x64xf32, #tpu.memory_space<vmem>>
          %dma_wait3A_588 = arith.constant 0 : i32
          %dma_wait3A_589 = arith.constant 0 : i32
          %dma_wait3A_590 = tpu.memref_slice %arg4[%dma_wait3A_583, %add3A, %dma_wait3A_588, %dma_wait3A_589] : memref<50x32x128x64xf32, #tpu.memory_space<hbm>> -> memref<1x1x128x64xf32, #tpu.memory_space<hbm>>
          %dma_wait3A_591 = tpu.memref_squeeze %dma_wait3A_590 : memref<1x1x128x64xf32, #tpu.memory_space<hbm>> -> memref<128x64xf32, #tpu.memory_space<hbm>>
          %dma_wait3A_592 = arith.constant 0 : i32
          %dma_wait3A_593 = arith.constant 0 : i32
          %dma_wait3A_594 = tpu.memref_slice %arg4[%dma_wait3A_583, %add3A, %dma_wait3A_592, %dma_wait3A_593] : memref<50x32x128x64xf32, #tpu.memory_space<hbm>> -> memref<1x1x128x64xf32, #tpu.memory_space<hbm>>
          %dma_wait3A_595 = tpu.memref_squeeze %dma_wait3A_594 : memref<1x1x128x64xf32, #tpu.memory_space<hbm>> -> memref<128x64xf32, #tpu.memory_space<hbm>>
          %dma_wait3A_596 = arith.constant 0 : i32
          %dma_wait3A_597 = arith.constant 0 : i32
          %dma_wait3A_598 = tpu.memref_slice %arg6[%dma_wait3A_582, %dma_wait3A_596, %dma_wait3A_597] : memref<8x128x64xf32, #tpu.memory_space<vmem>> -> memref<1x128x64xf32, #tpu.memory_space<vmem>>
          %dma_wait3A_599 = tpu.memref_squeeze %dma_wait3A_598 : memref<1x128x64xf32, #tpu.memory_space<vmem>> -> memref<128x64xf32, #tpu.memory_space<vmem>>
          tpu.wait_dma2 semaphore(%arg20 : memref<!tpu.dma_semaphore, #tpu.memory_space<semaphore_mem>>) src(%dma_wait3A_599 : memref<128x64xf32, #tpu.memory_space<vmem>>) dst(%dma_wait3A_595 : memref<128x64xf32, #tpu.memory_space<hbm>>)
          %add3A_600 = arith.constant 8 : i32
          %add3A_601 = arith.addi %scan3A_245, %add3A_600 : i32
          %dma_start3A_602 = arith.constant 5 : i32
          %dma_start3A_603 = arith.constant 0 : i32
          %dma_start3A_604 = arith.constant 0 : i32
          %dma_start3A_605 = tpu.memref_slice %arg6[%dma_start3A_602, %dma_start3A_603, %dma_start3A_604] : memref<8x128x64xf32, #tpu.memory_space<vmem>> -> memref<1x128x64xf32, #tpu.memory_space<vmem>>
          %dma_start3A_606 = tpu.memref_squeeze %dma_start3A_605 : memref<1x128x64xf32, #tpu.memory_space<vmem>> -> memref<128x64xf32, #tpu.memory_space<vmem>>
          %dma_start3A_607 = arith.constant 0 : i32
          %dma_start3A_608 = tpu.memref_slice %arg5[%add3A_601, %dma_start3A_607] : memref<50x128xi32, #tpu.memory_space<vmem>> -> memref<1x128xi32, #tpu.memory_space<vmem>>
          %dma_start3A_609 = tpu.memref_squeeze %dma_start3A_608 : memref<1x128xi32, #tpu.memory_space<vmem>> -> memref<128xi32, #tpu.memory_space<vmem>>
          %dma_start3A_610 = arith.constant 0 : i32
          %dma_start3A_611 = arith.constant 0 : i32
          %dma_start3A_612 = tpu.memref_slice %arg3[%dma_start3A_610, %dma_start3A_611] : memref<100000x64xf32, #tpu.memory_space<hbm>> -> memref<100000x64xf32, #tpu.memory_space<hbm>>
          tpu.enqueue_indirect_dma source(%dma_start3A_612 : memref<100000x64xf32, #tpu.memory_space<hbm>>) target(%dma_start3A_606 : memref<128x64xf32, #tpu.memory_space<vmem>>) offsets(%dma_start3A_609 : memref<128xi32, #tpu.memory_space<vmem>>) semaphore(%arg12 : memref<!tpu.dma_semaphore, #tpu.memory_space<semaphore_mem>>)
        } else {
        }
        %jit3A_540 = arith.constant 8 : i32
        %eq3A_541 = arith.constant 0 : i32
        %eq3A_542 = arith.cmpi eq, %jit3A_540, %eq3A_541 : i32
        %jit3A_543 = arith.constant 1 : i32
        %select_n3A_544 = arith.select %eq3A_542, %jit3A_543, %jit3A_540 : i32
        %rem3A_545 = arith.remsi %scan3A_245, %select_n3A_544 : i32
        %ne3A_546 = arith.constant 0 : i32
        %ne3A_547 = arith.cmpi ne, %rem3A_545, %ne3A_546 : i32
        %lt3A_548 = arith.constant 0 : i32
        %lt3A_549 = arith.cmpi slt, %rem3A_545, %lt3A_548 : i32
        %lt3A_550 = arith.constant 0 : i32
        %lt3A_551 = arith.cmpi slt, %select_n3A_544, %lt3A_550 : i32
        %ne3A_552 = arith.xori %lt3A_549, %lt3A_551 : i1
        %and3A_553 = arith.andi %ne3A_552, %ne3A_547 : i1
        %add3A_554 = arith.addi %rem3A_545, %select_n3A_544 : i32
        %select_n3A_555 = arith.select %and3A_553, %add3A_554, %rem3A_545 : i32
        %eq3A_556 = arith.constant 6 : i32
        %eq3A_557 = arith.cmpi eq, %select_n3A_555, %eq3A_556 : i32
        %convert_element_type3A_558 = arith.extui %eq3A_557 : i1 to i32
        %cond3A_559 = arith.constant 0 : i32
        %cond3A_560 = arith.cmpi ne, %convert_element_type3A_558, %cond3A_559 : i32
        scf.if %cond3A_560 {
          %dma_wait3A_582 = arith.constant 6 : i32
          %dma_wait3A_583 = arith.constant 0 : i32
          %dma_wait3A_584 = arith.constant 0 : i32
          %dma_wait3A_585 = arith.constant 0 : i32
          %dma_wait3A_586 = tpu.memref_slice %arg6[%dma_wait3A_582, %dma_wait3A_584, %dma_wait3A_585] : memref<8x128x64xf32, #tpu.memory_space<vmem>> -> memref<1x128x64xf32, #tpu.memory_space<vmem>>
          %dma_wait3A_587 = tpu.memref_squeeze %dma_wait3A_586 : memref<1x128x64xf32, #tpu.memory_space<vmem>> -> memref<128x64xf32, #tpu.memory_space<vmem>>
          %dma_wait3A_588 = arith.constant 0 : i32
          %dma_wait3A_589 = arith.constant 0 : i32
          %dma_wait3A_590 = tpu.memref_slice %arg4[%dma_wait3A_583, %add3A, %dma_wait3A_588, %dma_wait3A_589] : memref<50x32x128x64xf32, #tpu.memory_space<hbm>> -> memref<1x1x128x64xf32, #tpu.memory_space<hbm>>
          %dma_wait3A_591 = tpu.memref_squeeze %dma_wait3A_590 : memref<1x1x128x64xf32, #tpu.memory_space<hbm>> -> memref<128x64xf32, #tpu.memory_space<hbm>>
          %dma_wait3A_592 = arith.constant 0 : i32
          %dma_wait3A_593 = arith.constant 0 : i32
          %dma_wait3A_594 = tpu.memref_slice %arg4[%dma_wait3A_583, %add3A, %dma_wait3A_592, %dma_wait3A_593] : memref<50x32x128x64xf32, #tpu.memory_space<hbm>> -> memref<1x1x128x64xf32, #tpu.memory_space<hbm>>
          %dma_wait3A_595 = tpu.memref_squeeze %dma_wait3A_594 : memref<1x1x128x64xf32, #tpu.memory_space<hbm>> -> memref<128x64xf32, #tpu.memory_space<hbm>>
          %dma_wait3A_596 = arith.constant 0 : i32
          %dma_wait3A_597 = arith.constant 0 : i32
          %dma_wait3A_598 = tpu.memref_slice %arg6[%dma_wait3A_582, %dma_wait3A_596, %dma_wait3A_597] : memref<8x128x64xf32, #tpu.memory_space<vmem>> -> memref<1x128x64xf32, #tpu.memory_space<vmem>>
          %dma_wait3A_599 = tpu.memref_squeeze %dma_wait3A_598 : memref<1x128x64xf32, #tpu.memory_space<vmem>> -> memref<128x64xf32, #tpu.memory_space<vmem>>
          tpu.wait_dma2 semaphore(%arg21 : memref<!tpu.dma_semaphore, #tpu.memory_space<semaphore_mem>>) src(%dma_wait3A_599 : memref<128x64xf32, #tpu.memory_space<vmem>>) dst(%dma_wait3A_595 : memref<128x64xf32, #tpu.memory_space<hbm>>)
          %add3A_600 = arith.constant 8 : i32
          %add3A_601 = arith.addi %scan3A_245, %add3A_600 : i32
          %dma_start3A_602 = arith.constant 6 : i32
          %dma_start3A_603 = arith.constant 0 : i32
          %dma_start3A_604 = arith.constant 0 : i32
          %dma_start3A_605 = tpu.memref_slice %arg6[%dma_start3A_602, %dma_start3A_603, %dma_start3A_604] : memref<8x128x64xf32, #tpu.memory_space<vmem>> -> memref<1x128x64xf32, #tpu.memory_space<vmem>>
          %dma_start3A_606 = tpu.memref_squeeze %dma_start3A_605 : memref<1x128x64xf32, #tpu.memory_space<vmem>> -> memref<128x64xf32, #tpu.memory_space<vmem>>
          %dma_start3A_607 = arith.constant 0 : i32
          %dma_start3A_608 = tpu.memref_slice %arg5[%add3A_601, %dma_start3A_607] : memref<50x128xi32, #tpu.memory_space<vmem>> -> memref<1x128xi32, #tpu.memory_space<vmem>>
          %dma_start3A_609 = tpu.memref_squeeze %dma_start3A_608 : memref<1x128xi32, #tpu.memory_space<vmem>> -> memref<128xi32, #tpu.memory_space<vmem>>
          %dma_start3A_610 = arith.constant 0 : i32
          %dma_start3A_611 = arith.constant 0 : i32
          %dma_start3A_612 = tpu.memref_slice %arg3[%dma_start3A_610, %dma_start3A_611] : memref<100000x64xf32, #tpu.memory_space<hbm>> -> memref<100000x64xf32, #tpu.memory_space<hbm>>
          tpu.enqueue_indirect_dma source(%dma_start3A_612 : memref<100000x64xf32, #tpu.memory_space<hbm>>) target(%dma_start3A_606 : memref<128x64xf32, #tpu.memory_space<vmem>>) offsets(%dma_start3A_609 : memref<128xi32, #tpu.memory_space<vmem>>) semaphore(%arg13 : memref<!tpu.dma_semaphore, #tpu.memory_space<semaphore_mem>>)
        } else {
        }
        %jit3A_561 = arith.constant 8 : i32
        %eq3A_562 = arith.constant 0 : i32
        %eq3A_563 = arith.cmpi eq, %jit3A_561, %eq3A_562 : i32
        %jit3A_564 = arith.constant 1 : i32
        %select_n3A_565 = arith.select %eq3A_563, %jit3A_564, %jit3A_561 : i32
        %rem3A_566 = arith.remsi %scan3A_245, %select_n3A_565 : i32
        %ne3A_567 = arith.constant 0 : i32
        %ne3A_568 = arith.cmpi ne, %rem3A_566, %ne3A_567 : i32
        %lt3A_569 = arith.constant 0 : i32
        %lt3A_570 = arith.cmpi slt, %rem3A_566, %lt3A_569 : i32
        %lt3A_571 = arith.constant 0 : i32
        %lt3A_572 = arith.cmpi slt, %select_n3A_565, %lt3A_571 : i32
        %ne3A_573 = arith.xori %lt3A_570, %lt3A_572 : i1
        %and3A_574 = arith.andi %ne3A_573, %ne3A_568 : i1
        %add3A_575 = arith.addi %rem3A_566, %select_n3A_565 : i32
        %select_n3A_576 = arith.select %and3A_574, %add3A_575, %rem3A_566 : i32
        %eq3A_577 = arith.constant 7 : i32
        %eq3A_578 = arith.cmpi eq, %select_n3A_576, %eq3A_577 : i32
        %convert_element_type3A_579 = arith.extui %eq3A_578 : i1 to i32
        %cond3A_580 = arith.constant 0 : i32
        %cond3A_581 = arith.cmpi ne, %convert_element_type3A_579, %cond3A_580 : i32
        scf.if %cond3A_581 {
          %dma_wait3A_582 = arith.constant 7 : i32
          %dma_wait3A_583 = arith.constant 0 : i32
          %dma_wait3A_584 = arith.constant 0 : i32
          %dma_wait3A_585 = arith.constant 0 : i32
          %dma_wait3A_586 = tpu.memref_slice %arg6[%dma_wait3A_582, %dma_wait3A_584, %dma_wait3A_585] : memref<8x128x64xf32, #tpu.memory_space<vmem>> -> memref<1x128x64xf32, #tpu.memory_space<vmem>>
          %dma_wait3A_587 = tpu.memref_squeeze %dma_wait3A_586 : memref<1x128x64xf32, #tpu.memory_space<vmem>> -> memref<128x64xf32, #tpu.memory_space<vmem>>
          %dma_wait3A_588 = arith.constant 0 : i32
          %dma_wait3A_589 = arith.constant 0 : i32
          %dma_wait3A_590 = tpu.memref_slice %arg4[%dma_wait3A_583, %add3A, %dma_wait3A_588, %dma_wait3A_589] : memref<50x32x128x64xf32, #tpu.memory_space<hbm>> -> memref<1x1x128x64xf32, #tpu.memory_space<hbm>>
          %dma_wait3A_591 = tpu.memref_squeeze %dma_wait3A_590 : memref<1x1x128x64xf32, #tpu.memory_space<hbm>> -> memref<128x64xf32, #tpu.memory_space<hbm>>
          %dma_wait3A_592 = arith.constant 0 : i32
          %dma_wait3A_593 = arith.constant 0 : i32
          %dma_wait3A_594 = tpu.memref_slice %arg4[%dma_wait3A_583, %add3A, %dma_wait3A_592, %dma_wait3A_593] : memref<50x32x128x64xf32, #tpu.memory_space<hbm>> -> memref<1x1x128x64xf32, #tpu.memory_space<hbm>>
          %dma_wait3A_595 = tpu.memref_squeeze %dma_wait3A_594 : memref<1x1x128x64xf32, #tpu.memory_space<hbm>> -> memref<128x64xf32, #tpu.memory_space<hbm>>
          %dma_wait3A_596 = arith.constant 0 : i32
          %dma_wait3A_597 = arith.constant 0 : i32
          %dma_wait3A_598 = tpu.memref_slice %arg6[%dma_wait3A_582, %dma_wait3A_596, %dma_wait3A_597] : memref<8x128x64xf32, #tpu.memory_space<vmem>> -> memref<1x128x64xf32, #tpu.memory_space<vmem>>
          %dma_wait3A_599 = tpu.memref_squeeze %dma_wait3A_598 : memref<1x128x64xf32, #tpu.memory_space<vmem>> -> memref<128x64xf32, #tpu.memory_space<vmem>>
          tpu.wait_dma2 semaphore(%arg22 : memref<!tpu.dma_semaphore, #tpu.memory_space<semaphore_mem>>) src(%dma_wait3A_599 : memref<128x64xf32, #tpu.memory_space<vmem>>) dst(%dma_wait3A_595 : memref<128x64xf32, #tpu.memory_space<hbm>>)
          %add3A_600 = arith.constant 8 : i32
          %add3A_601 = arith.addi %scan3A_245, %add3A_600 : i32
          %dma_start3A_602 = arith.constant 7 : i32
          %dma_start3A_603 = arith.constant 0 : i32
          %dma_start3A_604 = arith.constant 0 : i32
          %dma_start3A_605 = tpu.memref_slice %arg6[%dma_start3A_602, %dma_start3A_603, %dma_start3A_604] : memref<8x128x64xf32, #tpu.memory_space<vmem>> -> memref<1x128x64xf32, #tpu.memory_space<vmem>>
          %dma_start3A_606 = tpu.memref_squeeze %dma_start3A_605 : memref<1x128x64xf32, #tpu.memory_space<vmem>> -> memref<128x64xf32, #tpu.memory_space<vmem>>
          %dma_start3A_607 = arith.constant 0 : i32
          %dma_start3A_608 = tpu.memref_slice %arg5[%add3A_601, %dma_start3A_607] : memref<50x128xi32, #tpu.memory_space<vmem>> -> memref<1x128xi32, #tpu.memory_space<vmem>>
          %dma_start3A_609 = tpu.memref_squeeze %dma_start3A_608 : memref<1x128xi32, #tpu.memory_space<vmem>> -> memref<128xi32, #tpu.memory_space<vmem>>
          %dma_start3A_610 = arith.constant 0 : i32
          %dma_start3A_611 = arith.constant 0 : i32
          %dma_start3A_612 = tpu.memref_slice %arg3[%dma_start3A_610, %dma_start3A_611] : memref<100000x64xf32, #tpu.memory_space<hbm>> -> memref<100000x64xf32, #tpu.memory_space<hbm>>
          tpu.enqueue_indirect_dma source(%dma_start3A_612 : memref<100000x64xf32, #tpu.memory_space<hbm>>) target(%dma_start3A_606 : memref<128x64xf32, #tpu.memory_space<vmem>>) offsets(%dma_start3A_609 : memref<128xi32, #tpu.memory_space<vmem>>) semaphore(%arg14 : memref<!tpu.dma_semaphore, #tpu.memory_space<semaphore_mem>>)
        } else {
        }
      } else {
      }
      %scan3A_413 = arith.constant 0 : i32
      scf.yield %scan3A_413 : i32
    }
    %scan3A_101 = arith.constant 50 : i32
    %dma_wait3A = arith.constant 0 : i32
    %dma_wait3A_102 = arith.constant 0 : i32
    %dma_wait3A_103 = arith.constant 0 : i32
    %dma_wait3A_104 = arith.constant 0 : i32
    %dma_wait3A_105 = tpu.memref_slice %arg6[%dma_wait3A, %dma_wait3A_103, %dma_wait3A_104] : memref<8x128x64xf32, #tpu.memory_space<vmem>> -> memref<1x128x64xf32, #tpu.memory_space<vmem>>
    %dma_wait3A_106 = tpu.memref_squeeze %dma_wait3A_105 : memref<1x128x64xf32, #tpu.memory_space<vmem>> -> memref<128x64xf32, #tpu.memory_space<vmem>>
    %dma_wait3A_107 = arith.constant 0 : i32
    %dma_wait3A_108 = arith.constant 0 : i32
    %dma_wait3A_109 = tpu.memref_slice %arg4[%dma_wait3A_102, %add3A, %dma_wait3A_107, %dma_wait3A_108] : memref<50x32x128x64xf32, #tpu.memory_space<hbm>> -> memref<1x1x128x64xf32, #tpu.memory_space<hbm>>
    %dma_wait3A_110 = tpu.memref_squeeze %dma_wait3A_109 : memref<1x1x128x64xf32, #tpu.memory_space<hbm>> -> memref<128x64xf32, #tpu.memory_space<hbm>>
    %dma_wait3A_111 = arith.constant 0 : i32
    %dma_wait3A_112 = arith.constant 0 : i32
    %dma_wait3A_113 = tpu.memref_slice %arg4[%dma_wait3A_102, %add3A, %dma_wait3A_111, %dma_wait3A_112] : memref<50x32x128x64xf32, #tpu.memory_space<hbm>> -> memref<1x1x128x64xf32, #tpu.memory_space<hbm>>
    %dma_wait3A_114 = tpu.memref_squeeze %dma_wait3A_113 : memref<1x1x128x64xf32, #tpu.memory_space<hbm>> -> memref<128x64xf32, #tpu.memory_space<hbm>>
    %dma_wait3A_115 = arith.constant 0 : i32
    %dma_wait3A_116 = arith.constant 0 : i32
    %dma_wait3A_117 = tpu.memref_slice %arg6[%dma_wait3A, %dma_wait3A_115, %dma_wait3A_116] : memref<8x128x64xf32, #tpu.memory_space<vmem>> -> memref<1x128x64xf32, #tpu.memory_space<vmem>>
    %dma_wait3A_118 = tpu.memref_squeeze %dma_wait3A_117 : memref<1x128x64xf32, #tpu.memory_space<vmem>> -> memref<128x64xf32, #tpu.memory_space<vmem>>
    tpu.wait_dma2 semaphore(%arg15 : memref<!tpu.dma_semaphore, #tpu.memory_space<semaphore_mem>>) src(%dma_wait3A_118 : memref<128x64xf32, #tpu.memory_space<vmem>>) dst(%dma_wait3A_114 : memref<128x64xf32, #tpu.memory_space<hbm>>)
    %dma_wait3A_119 = arith.constant 1 : i32
    %dma_wait3A_120 = arith.constant 0 : i32
    %dma_wait3A_121 = arith.constant 0 : i32
    %dma_wait3A_122 = arith.constant 0 : i32
    %dma_wait3A_123 = tpu.memref_slice %arg6[%dma_wait3A_119, %dma_wait3A_121, %dma_wait3A_122] : memref<8x128x64xf32, #tpu.memory_space<vmem>> -> memref<1x128x64xf32, #tpu.memory_space<vmem>>
    %dma_wait3A_124 = tpu.memref_squeeze %dma_wait3A_123 : memref<1x128x64xf32, #tpu.memory_space<vmem>> -> memref<128x64xf32, #tpu.memory_space<vmem>>
    %dma_wait3A_125 = arith.constant 0 : i32
    %dma_wait3A_126 = arith.constant 0 : i32
    %dma_wait3A_127 = tpu.memref_slice %arg4[%dma_wait3A_120, %add3A, %dma_wait3A_125, %dma_wait3A_126] : memref<50x32x128x64xf32, #tpu.memory_space<hbm>> -> memref<1x1x128x64xf32, #tpu.memory_space<hbm>>
    %dma_wait3A_128 = tpu.memref_squeeze %dma_wait3A_127 : memref<1x1x128x64xf32, #tpu.memory_space<hbm>> -> memref<128x64xf32, #tpu.memory_space<hbm>>
    %dma_wait3A_129 = arith.constant 0 : i32
    %dma_wait3A_130 = arith.constant 0 : i32
    %dma_wait3A_131 = tpu.memref_slice %arg4[%dma_wait3A_120, %add3A, %dma_wait3A_129, %dma_wait3A_130] : memref<50x32x128x64xf32, #tpu.memory_space<hbm>> -> memref<1x1x128x64xf32, #tpu.memory_space<hbm>>
    %dma_wait3A_132 = tpu.memref_squeeze %dma_wait3A_131 : memref<1x1x128x64xf32, #tpu.memory_space<hbm>> -> memref<128x64xf32, #tpu.memory_space<hbm>>
    %dma_wait3A_133 = arith.constant 0 : i32
    %dma_wait3A_134 = arith.constant 0 : i32
    %dma_wait3A_135 = tpu.memref_slice %arg6[%dma_wait3A_119, %dma_wait3A_133, %dma_wait3A_134] : memref<8x128x64xf32, #tpu.memory_space<vmem>> -> memref<1x128x64xf32, #tpu.memory_space<vmem>>
    %dma_wait3A_136 = tpu.memref_squeeze %dma_wait3A_135 : memref<1x128x64xf32, #tpu.memory_space<vmem>> -> memref<128x64xf32, #tpu.memory_space<vmem>>
    tpu.wait_dma2 semaphore(%arg16 : memref<!tpu.dma_semaphore, #tpu.memory_space<semaphore_mem>>) src(%dma_wait3A_136 : memref<128x64xf32, #tpu.memory_space<vmem>>) dst(%dma_wait3A_132 : memref<128x64xf32, #tpu.memory_space<hbm>>)
    %dma_wait3A_137 = arith.constant 2 : i32
    %dma_wait3A_138 = arith.constant 0 : i32
    %dma_wait3A_139 = arith.constant 0 : i32
    %dma_wait3A_140 = arith.constant 0 : i32
    %dma_wait3A_141 = tpu.memref_slice %arg6[%dma_wait3A_137, %dma_wait3A_139, %dma_wait3A_140] : memref<8x128x64xf32, #tpu.memory_space<vmem>> -> memref<1x128x64xf32, #tpu.memory_space<vmem>>
    %dma_wait3A_142 = tpu.memref_squeeze %dma_wait3A_141 : memref<1x128x64xf32, #tpu.memory_space<vmem>> -> memref<128x64xf32, #tpu.memory_space<vmem>>
    %dma_wait3A_143 = arith.constant 0 : i32
    %dma_wait3A_144 = arith.constant 0 : i32
    %dma_wait3A_145 = tpu.memref_slice %arg4[%dma_wait3A_138, %add3A, %dma_wait3A_143, %dma_wait3A_144] : memref<50x32x128x64xf32, #tpu.memory_space<hbm>> -> memref<1x1x128x64xf32, #tpu.memory_space<hbm>>
    %dma_wait3A_146 = tpu.memref_squeeze %dma_wait3A_145 : memref<1x1x128x64xf32, #tpu.memory_space<hbm>> -> memref<128x64xf32, #tpu.memory_space<hbm>>
    %dma_wait3A_147 = arith.constant 0 : i32
    %dma_wait3A_148 = arith.constant 0 : i32
    %dma_wait3A_149 = tpu.memref_slice %arg4[%dma_wait3A_138, %add3A, %dma_wait3A_147, %dma_wait3A_148] : memref<50x32x128x64xf32, #tpu.memory_space<hbm>> -> memref<1x1x128x64xf32, #tpu.memory_space<hbm>>
    %dma_wait3A_150 = tpu.memref_squeeze %dma_wait3A_149 : memref<1x1x128x64xf32, #tpu.memory_space<hbm>> -> memref<128x64xf32, #tpu.memory_space<hbm>>
    %dma_wait3A_151 = arith.constant 0 : i32
    %dma_wait3A_152 = arith.constant 0 : i32
    %dma_wait3A_153 = tpu.memref_slice %arg6[%dma_wait3A_137, %dma_wait3A_151, %dma_wait3A_152] : memref<8x128x64xf32, #tpu.memory_space<vmem>> -> memref<1x128x64xf32, #tpu.memory_space<vmem>>
    %dma_wait3A_154 = tpu.memref_squeeze %dma_wait3A_153 : memref<1x128x64xf32, #tpu.memory_space<vmem>> -> memref<128x64xf32, #tpu.memory_space<vmem>>
    tpu.wait_dma2 semaphore(%arg17 : memref<!tpu.dma_semaphore, #tpu.memory_space<semaphore_mem>>) src(%dma_wait3A_154 : memref<128x64xf32, #tpu.memory_space<vmem>>) dst(%dma_wait3A_150 : memref<128x64xf32, #tpu.memory_space<hbm>>)
    %dma_wait3A_155 = arith.constant 3 : i32
    %dma_wait3A_156 = arith.constant 0 : i32
    %dma_wait3A_157 = arith.constant 0 : i32
    %dma_wait3A_158 = arith.constant 0 : i32
    %dma_wait3A_159 = tpu.memref_slice %arg6[%dma_wait3A_155, %dma_wait3A_157, %dma_wait3A_158] : memref<8x128x64xf32, #tpu.memory_space<vmem>> -> memref<1x128x64xf32, #tpu.memory_space<vmem>>
    %dma_wait3A_160 = tpu.memref_squeeze %dma_wait3A_159 : memref<1x128x64xf32, #tpu.memory_space<vmem>> -> memref<128x64xf32, #tpu.memory_space<vmem>>
    %dma_wait3A_161 = arith.constant 0 : i32
    %dma_wait3A_162 = arith.constant 0 : i32
    %dma_wait3A_163 = tpu.memref_slice %arg4[%dma_wait3A_156, %add3A, %dma_wait3A_161, %dma_wait3A_162] : memref<50x32x128x64xf32, #tpu.memory_space<hbm>> -> memref<1x1x128x64xf32, #tpu.memory_space<hbm>>
    %dma_wait3A_164 = tpu.memref_squeeze %dma_wait3A_163 : memref<1x1x128x64xf32, #tpu.memory_space<hbm>> -> memref<128x64xf32, #tpu.memory_space<hbm>>
    %dma_wait3A_165 = arith.constant 0 : i32
    %dma_wait3A_166 = arith.constant 0 : i32
    %dma_wait3A_167 = tpu.memref_slice %arg4[%dma_wait3A_156, %add3A, %dma_wait3A_165, %dma_wait3A_166] : memref<50x32x128x64xf32, #tpu.memory_space<hbm>> -> memref<1x1x128x64xf32, #tpu.memory_space<hbm>>
    %dma_wait3A_168 = tpu.memref_squeeze %dma_wait3A_167 : memref<1x1x128x64xf32, #tpu.memory_space<hbm>> -> memref<128x64xf32, #tpu.memory_space<hbm>>
    %dma_wait3A_169 = arith.constant 0 : i32
    %dma_wait3A_170 = arith.constant 0 : i32
    %dma_wait3A_171 = tpu.memref_slice %arg6[%dma_wait3A_155, %dma_wait3A_169, %dma_wait3A_170] : memref<8x128x64xf32, #tpu.memory_space<vmem>> -> memref<1x128x64xf32, #tpu.memory_space<vmem>>
    %dma_wait3A_172 = tpu.memref_squeeze %dma_wait3A_171 : memref<1x128x64xf32, #tpu.memory_space<vmem>> -> memref<128x64xf32, #tpu.memory_space<vmem>>
    tpu.wait_dma2 semaphore(%arg18 : memref<!tpu.dma_semaphore, #tpu.memory_space<semaphore_mem>>) src(%dma_wait3A_172 : memref<128x64xf32, #tpu.memory_space<vmem>>) dst(%dma_wait3A_168 : memref<128x64xf32, #tpu.memory_space<hbm>>)
    %dma_wait3A_173 = arith.constant 4 : i32
    %dma_wait3A_174 = arith.constant 0 : i32
    %dma_wait3A_175 = arith.constant 0 : i32
    %dma_wait3A_176 = arith.constant 0 : i32
    %dma_wait3A_177 = tpu.memref_slice %arg6[%dma_wait3A_173, %dma_wait3A_175, %dma_wait3A_176] : memref<8x128x64xf32, #tpu.memory_space<vmem>> -> memref<1x128x64xf32, #tpu.memory_space<vmem>>
    %dma_wait3A_178 = tpu.memref_squeeze %dma_wait3A_177 : memref<1x128x64xf32, #tpu.memory_space<vmem>> -> memref<128x64xf32, #tpu.memory_space<vmem>>
    %dma_wait3A_179 = arith.constant 0 : i32
    %dma_wait3A_180 = arith.constant 0 : i32
    %dma_wait3A_181 = tpu.memref_slice %arg4[%dma_wait3A_174, %add3A, %dma_wait3A_179, %dma_wait3A_180] : memref<50x32x128x64xf32, #tpu.memory_space<hbm>> -> memref<1x1x128x64xf32, #tpu.memory_space<hbm>>
    %dma_wait3A_182 = tpu.memref_squeeze %dma_wait3A_181 : memref<1x1x128x64xf32, #tpu.memory_space<hbm>> -> memref<128x64xf32, #tpu.memory_space<hbm>>
    %dma_wait3A_183 = arith.constant 0 : i32
    %dma_wait3A_184 = arith.constant 0 : i32
    %dma_wait3A_185 = tpu.memref_slice %arg4[%dma_wait3A_174, %add3A, %dma_wait3A_183, %dma_wait3A_184] : memref<50x32x128x64xf32, #tpu.memory_space<hbm>> -> memref<1x1x128x64xf32, #tpu.memory_space<hbm>>
    %dma_wait3A_186 = tpu.memref_squeeze %dma_wait3A_185 : memref<1x1x128x64xf32, #tpu.memory_space<hbm>> -> memref<128x64xf32, #tpu.memory_space<hbm>>
    %dma_wait3A_187 = arith.constant 0 : i32
    %dma_wait3A_188 = arith.constant 0 : i32
    %dma_wait3A_189 = tpu.memref_slice %arg6[%dma_wait3A_173, %dma_wait3A_187, %dma_wait3A_188] : memref<8x128x64xf32, #tpu.memory_space<vmem>> -> memref<1x128x64xf32, #tpu.memory_space<vmem>>
    %dma_wait3A_190 = tpu.memref_squeeze %dma_wait3A_189 : memref<1x128x64xf32, #tpu.memory_space<vmem>> -> memref<128x64xf32, #tpu.memory_space<vmem>>
    tpu.wait_dma2 semaphore(%arg19 : memref<!tpu.dma_semaphore, #tpu.memory_space<semaphore_mem>>) src(%dma_wait3A_190 : memref<128x64xf32, #tpu.memory_space<vmem>>) dst(%dma_wait3A_186 : memref<128x64xf32, #tpu.memory_space<hbm>>)
    %dma_wait3A_191 = arith.constant 5 : i32
    %dma_wait3A_192 = arith.constant 0 : i32
    %dma_wait3A_193 = arith.constant 0 : i32
    %dma_wait3A_194 = arith.constant 0 : i32
    %dma_wait3A_195 = tpu.memref_slice %arg6[%dma_wait3A_191, %dma_wait3A_193, %dma_wait3A_194] : memref<8x128x64xf32, #tpu.memory_space<vmem>> -> memref<1x128x64xf32, #tpu.memory_space<vmem>>
    %dma_wait3A_196 = tpu.memref_squeeze %dma_wait3A_195 : memref<1x128x64xf32, #tpu.memory_space<vmem>> -> memref<128x64xf32, #tpu.memory_space<vmem>>
    %dma_wait3A_197 = arith.constant 0 : i32
    %dma_wait3A_198 = arith.constant 0 : i32
    %dma_wait3A_199 = tpu.memref_slice %arg4[%dma_wait3A_192, %add3A, %dma_wait3A_197, %dma_wait3A_198] : memref<50x32x128x64xf32, #tpu.memory_space<hbm>> -> memref<1x1x128x64xf32, #tpu.memory_space<hbm>>
    %dma_wait3A_200 = tpu.memref_squeeze %dma_wait3A_199 : memref<1x1x128x64xf32, #tpu.memory_space<hbm>> -> memref<128x64xf32, #tpu.memory_space<hbm>>
    %dma_wait3A_201 = arith.constant 0 : i32
    %dma_wait3A_202 = arith.constant 0 : i32
    %dma_wait3A_203 = tpu.memref_slice %arg4[%dma_wait3A_192, %add3A, %dma_wait3A_201, %dma_wait3A_202] : memref<50x32x128x64xf32, #tpu.memory_space<hbm>> -> memref<1x1x128x64xf32, #tpu.memory_space<hbm>>
    %dma_wait3A_204 = tpu.memref_squeeze %dma_wait3A_203 : memref<1x1x128x64xf32, #tpu.memory_space<hbm>> -> memref<128x64xf32, #tpu.memory_space<hbm>>
    %dma_wait3A_205 = arith.constant 0 : i32
    %dma_wait3A_206 = arith.constant 0 : i32
    %dma_wait3A_207 = tpu.memref_slice %arg6[%dma_wait3A_191, %dma_wait3A_205, %dma_wait3A_206] : memref<8x128x64xf32, #tpu.memory_space<vmem>> -> memref<1x128x64xf32, #tpu.memory_space<vmem>>
    %dma_wait3A_208 = tpu.memref_squeeze %dma_wait3A_207 : memref<1x128x64xf32, #tpu.memory_space<vmem>> -> memref<128x64xf32, #tpu.memory_space<vmem>>
    tpu.wait_dma2 semaphore(%arg20 : memref<!tpu.dma_semaphore, #tpu.memory_space<semaphore_mem>>) src(%dma_wait3A_208 : memref<128x64xf32, #tpu.memory_space<vmem>>) dst(%dma_wait3A_204 : memref<128x64xf32, #tpu.memory_space<hbm>>)
    %dma_wait3A_209 = arith.constant 6 : i32
    %dma_wait3A_210 = arith.constant 0 : i32
    %dma_wait3A_211 = arith.constant 0 : i32
    %dma_wait3A_212 = arith.constant 0 : i32
    %dma_wait3A_213 = tpu.memref_slice %arg6[%dma_wait3A_209, %dma_wait3A_211, %dma_wait3A_212] : memref<8x128x64xf32, #tpu.memory_space<vmem>> -> memref<1x128x64xf32, #tpu.memory_space<vmem>>
    %dma_wait3A_214 = tpu.memref_squeeze %dma_wait3A_213 : memref<1x128x64xf32, #tpu.memory_space<vmem>> -> memref<128x64xf32, #tpu.memory_space<vmem>>
    %dma_wait3A_215 = arith.constant 0 : i32
    %dma_wait3A_216 = arith.constant 0 : i32
    %dma_wait3A_217 = tpu.memref_slice %arg4[%dma_wait3A_210, %add3A, %dma_wait3A_215, %dma_wait3A_216] : memref<50x32x128x64xf32, #tpu.memory_space<hbm>> -> memref<1x1x128x64xf32, #tpu.memory_space<hbm>>
    %dma_wait3A_218 = tpu.memref_squeeze %dma_wait3A_217 : memref<1x1x128x64xf32, #tpu.memory_space<hbm>> -> memref<128x64xf32, #tpu.memory_space<hbm>>
    %dma_wait3A_219 = arith.constant 0 : i32
    %dma_wait3A_220 = arith.constant 0 : i32
    %dma_wait3A_221 = tpu.memref_slice %arg4[%dma_wait3A_210, %add3A, %dma_wait3A_219, %dma_wait3A_220] : memref<50x32x128x64xf32, #tpu.memory_space<hbm>> -> memref<1x1x128x64xf32, #tpu.memory_space<hbm>>
    %dma_wait3A_222 = tpu.memref_squeeze %dma_wait3A_221 : memref<1x1x128x64xf32, #tpu.memory_space<hbm>> -> memref<128x64xf32, #tpu.memory_space<hbm>>
    %dma_wait3A_223 = arith.constant 0 : i32
    %dma_wait3A_224 = arith.constant 0 : i32
    %dma_wait3A_225 = tpu.memref_slice %arg6[%dma_wait3A_209, %dma_wait3A_223, %dma_wait3A_224] : memref<8x128x64xf32, #tpu.memory_space<vmem>> -> memref<1x128x64xf32, #tpu.memory_space<vmem>>
    %dma_wait3A_226 = tpu.memref_squeeze %dma_wait3A_225 : memref<1x128x64xf32, #tpu.memory_space<vmem>> -> memref<128x64xf32, #tpu.memory_space<vmem>>
    tpu.wait_dma2 semaphore(%arg21 : memref<!tpu.dma_semaphore, #tpu.memory_space<semaphore_mem>>) src(%dma_wait3A_226 : memref<128x64xf32, #tpu.memory_space<vmem>>) dst(%dma_wait3A_222 : memref<128x64xf32, #tpu.memory_space<hbm>>)
    %dma_wait3A_227 = arith.constant 7 : i32
    %dma_wait3A_228 = arith.constant 0 : i32
    %dma_wait3A_229 = arith.constant 0 : i32
    %dma_wait3A_230 = arith.constant 0 : i32
    %dma_wait3A_231 = tpu.memref_slice %arg6[%dma_wait3A_227, %dma_wait3A_229, %dma_wait3A_230] : memref<8x128x64xf32, #tpu.memory_space<vmem>> -> memref<1x128x64xf32, #tpu.memory_space<vmem>>
    %dma_wait3A_232 = tpu.memref_squeeze %dma_wait3A_231 : memref<1x128x64xf32, #tpu.memory_space<vmem>> -> memref<128x64xf32, #tpu.memory_space<vmem>>
    %dma_wait3A_233 = arith.constant 0 : i32
    %dma_wait3A_234 = arith.constant 0 : i32
    %dma_wait3A_235 = tpu.memref_slice %arg4[%dma_wait3A_228, %add3A, %dma_wait3A_233, %dma_wait3A_234] : memref<50x32x128x64xf32, #tpu.memory_space<hbm>> -> memref<1x1x128x64xf32, #tpu.memory_space<hbm>>
    %dma_wait3A_236 = tpu.memref_squeeze %dma_wait3A_235 : memref<1x1x128x64xf32, #tpu.memory_space<hbm>> -> memref<128x64xf32, #tpu.memory_space<hbm>>
    %dma_wait3A_237 = arith.constant 0 : i32
    %dma_wait3A_238 = arith.constant 0 : i32
    %dma_wait3A_239 = tpu.memref_slice %arg4[%dma_wait3A_228, %add3A, %dma_wait3A_237, %dma_wait3A_238] : memref<50x32x128x64xf32, #tpu.memory_space<hbm>> -> memref<1x1x128x64xf32, #tpu.memory_space<hbm>>
    %dma_wait3A_240 = tpu.memref_squeeze %dma_wait3A_239 : memref<1x1x128x64xf32, #tpu.memory_space<hbm>> -> memref<128x64xf32, #tpu.memory_space<hbm>>
    %dma_wait3A_241 = arith.constant 0 : i32
    %dma_wait3A_242 = arith.constant 0 : i32
    %dma_wait3A_243 = tpu.memref_slice %arg6[%dma_wait3A_227, %dma_wait3A_241, %dma_wait3A_242] : memref<8x128x64xf32, #tpu.memory_space<vmem>> -> memref<1x128x64xf32, #tpu.memory_space<vmem>>
    %dma_wait3A_244 = tpu.memref_squeeze %dma_wait3A_243 : memref<1x128x64xf32, #tpu.memory_space<vmem>> -> memref<128x64xf32, #tpu.memory_space<vmem>>
    tpu.wait_dma2 semaphore(%arg22 : memref<!tpu.dma_semaphore, #tpu.memory_space<semaphore_mem>>) src(%dma_wait3A_244 : memref<128x64xf32, #tpu.memory_space<vmem>>) dst(%dma_wait3A_240 : memref<128x64xf32, #tpu.memory_space<hbm>>)
    return
  }
}

</mosaic_0001>

<sc_bundles>
// kernel: kernel.3.cloned.1.call-start
scs
__scs_entry_jumppad:
0x0: {  	(pc) =	sbr.rel $0x88, $3  }
0x1: {  	(tag) =	ssettag $0x0;
	lr =	simm.s32 $0x1  }
0x2: {  	[smem:$0x3F9F] =	sst lr;
	_ =	strace $0xD0000000  }
0x3: {  	_ = 	snop  }
0x4: {  	_ = 	snop  }
0x5: {  	_ = 	snop  }
0x6: {  	_ = 	snop  }
0x7: {  	_ = 	snop  }
__scs_overlays_trampoline_lowered:
0x8: {  	[smem:$0x3FAE] =	sst s0  }
0x9: {  	[smem:$0x3FAF] =	sst s1  }
0xa: {  	[smem:$0x3FB0] =	sst s2  }
0xb: {  	[smem:$0x3FB1] =	sst s3  }
0xc: {  	[smem:$0x3FB2] =	sst s4  }
0xd: {  	[smem:$0x3FB3] =	sst s5  }
0xe: {  	[smem:$0x3FB4] =	sst s6  }
0xf: {  	[smem:$0x3FB5] =	sst s7  }
0x10: {  	[smem:$0x3FB6] =	sst s8  }
0x11: {  	[smem:$0x3FB7] =	sst s9;
	s0 =	simm.s32 @!p0 $0x0  }
0x12: {  	s1 =	sld [smem:$0x3F9D];
	s0 =	simm.s32 @p0 $0x1  }
0x13: {  	[smem:$0x3FB8] =	sst s0;
	s0 =	simm.s32 @!p1 $0x0  }
0x14: {  	s2 =	sld [smem:$0x3F9C];
	s0 =	simm.s32 @p1 $0x1  }
0x15: {  	[smem:$0x3FB9] =	sst s0;
	s0 =	simm.s32 @!p2 $0x0  }
0x16: {  	s3 =	sld [smem:$0x3FDB];
	s0 =	simm.s32 @p2 $0x1  }
0x17: {  	s4 =	simm.s32 $0x1BF5;
	[smem:$0x3FBB] =	sst s0  }
0x18: {  	s0 =	sld [smem:$0x3F9E];
	_ =	swait.ge [sflag:s4], $0x0  }
0x19: {  	s7 =	sld [smem:$0x3F9F]  }
0x1a: {  	s8 =	sadd.s32 $0xFFFFE003, lr  }
0x1b: {  	s9 =	sadd.s32 $0xFFFFFEF7, lr;
	s5 =	simm.s32 $0xFFFFFFFF;
	p2 =	slt.u32 s8, $0xFFFFF086  }
0x1c: {  	p1 =	slt.u32 s9, $0xF7A;
	s5 =	simm.s32 @!p2 $0x0  }
0x1d: {  	s5 =	simm.s32 @p1 $0x1;
	p0 =	seq.s32 s7, s2  }
0x1e: {  	s7 =	smul.u32 @!p0 $0xF7A, s2;
	p2 =	seq.s32 @!p0 s5, $0x0  }
0x1f: {  	s9 =	smul.u32 $0xF7A, s1;
	s8 =	simm.s32 @!p0 $0x1BF5;
	p2 =	por !p2, p0  }
0x20: {  	[sflag:s8] =	ssyncset.s32 @!p0 $0xFFFFF086;
	s6 =	sadd.s32 @!p0 s3, s7;
	s7 =	simm.s32 @!p0 $0x108  }
0x21: {  	s3 =	sadd.s32 s3, s9;
	s6 =	sadd.s32 @!p0 $0x88, s6;
	s7 =	simm.s32 @p2 $0x1082  }
0x22: {  	[simem:s7], [sflag:s8] =	dma.local @!p0 [hbm:s6], $0xF7A  }
0x23: {  	s9 =	sor.u32 $0xD0000000, s2;
	s6 =	simm.s32 $0x108;
	_ =	swait.ge @!p0 [sflag:s8], $0x0  }
0x24: {  	s3 =	sadd.s32 $0x88, s3;
	s6 =	simm.s32 @!p1 $0x1082;
	[sflag:s4] =	ssyncset.s32 $0xFFFFF086  }
0x25: {  	[simem:s6], [sflag:s4] =	dma.local [hbm:s3], $0xF7A  }
0x26: {  	[smem:$0x3F9F] =	sst s1;
	(tag) =	ssettag s2;
	_ =	strace s9  }
0x27: {  	s1 =	sld [smem:$0x3FAF]  }
0x28: {  	s2 =	sld [smem:$0x3FB0]  }
0x29: {  	s4 =	sld [smem:$0x3FB2]  }
0x2a: {  	p0 =	seq.s32 s5, $0x0;
	s5 =	sld [smem:$0x3FB3]  }
0x2b: {  	s6 =	sld [smem:$0x3FB4]  }
0x2c: {  	s7 =	sld [smem:$0x3FB5]  }
0x2d: {  	s3 =	simm.s32 $0x108;
	s8 =	sld [smem:$0x3FB6]  }
0x2e: {  	s3 =	simm.s32 @!p0 $0x1082;
	s9 =	sld [smem:$0x3FB7]  }
0x2f: {  	lr =	sadd.s32 s0, s3;
	s0 =	sld [smem:$0x3FAE]  }
0x30: {  	s3 =	sld [smem:$0x3FB1]  }
0x31: {  	[smem:$0x3FBA] =	sst s10  }
0x32: {  	s10 =	sld [smem:$0x3FB8];
	_ =	sdelay $0x3  }
0x33: {  	p0 =	seq.s32 s10, $0x1;
	s10 =	sld [smem:$0x3FBA];
	_ =	sdelay $0x3  }
0x34: {  	[smem:$0x3FBA] =	sst s10  }
0x35: {  	s10 =	sld [smem:$0x3FB9];
	_ =	sdelay $0x3  }
0x36: {  	p1 =	seq.s32 s10, $0x1;
	s10 =	sld [smem:$0x3FBA];
	_ =	sdelay $0x3  }
0x37: {  	[smem:$0x3FBA] =	sst s10  }
0x38: {  	s10 =	sld [smem:$0x3FBB]  }
0x39: {  	_ = 	snop;
	(pc) =	sbr.ind lr, $3  }
0x3a: {  	_ = 	snop  }
0x3b: {  	_ = 	snop  }
0x3c: {  	p2 =	seq.s32 s10, $0x1;
	s10 =	sld [smem:$0x3FBA]  }
0x3d: {  	_ =	shalt  }
0x3e: {  	_ =	shalt  }
0x3f: {  	_ =	shalt  }
0x40: {  	_ =	shalt  }
0x41: {  	_ =	shalt  }
0x42: {  	_ =	shalt  }
0x43: {  	_ =	shalt  }
0x44: {  	_ =	shalt  }
0x45: {  	_ =	shalt  }
0x46: {  	_ =	shalt  }
0x47: {  	_ =	shalt  }
0x48: {  	_ =	shalt  }
0x49: {  	_ =	shalt  }
0x4a: {  	_ =	shalt  }
0x4b: {  	_ =	shalt  }
0x4c: {  	_ =	shalt  }
0x4d: {  	_ =	shalt  }
0x4e: {  	_ =	shalt  }
0x4f: {  	_ =	shalt  }
0x50: {  	_ =	shalt  }
0x51: {  	_ =	shalt  }
0x52: {  	_ =	shalt  }
0x53: {  	_ =	shalt  }
0x54: {  	_ =	shalt  }
0x55: {  	_ =	shalt  }
0x56: {  	_ =	shalt  }
0x57: {  	_ =	shalt  }
0x58: {  	_ =	shalt  }
0x59: {  	_ =	shalt  }
0x5a: {  	_ =	shalt  }
0x5b: {  	_ =	shalt  }
0x5c: {  	_ =	shalt  }
0x5d: {  	_ =	shalt  }
0x5e: {  	_ =	shalt  }
0x5f: {  	_ =	shalt  }
0x60: {  	_ =	shalt  }
0x61: {  	_ =	shalt  }
0x62: {  	_ =	shalt  }
0x63: {  	_ =	shalt  }
0x64: {  	_ =	shalt  }
0x65: {  	_ =	shalt  }
0x66: {  	_ =	shalt  }
0x67: {  	_ =	shalt  }
0x68: {  	_ =	shalt  }
0x69: {  	_ =	shalt  }
0x6a: {  	_ =	shalt  }
0x6b: {  	_ =	shalt  }
0x6c: {  	_ =	shalt  }
0x6d: {  	_ =	shalt  }
0x6e: {  	_ =	shalt  }
0x6f: {  	_ =	shalt  }
0x70: {  	_ =	shalt  }
0x71: {  	_ =	shalt  }
0x72: {  	_ =	shalt  }
0x73: {  	_ =	shalt  }
0x74: {  	_ =	shalt  }
0x75: {  	_ =	shalt  }
0x76: {  	_ =	shalt  }
0x77: {  	_ =	shalt  }
0x78: {  	_ =	shalt  }
0x79: {  	_ =	shalt  }
0x7a: {  	_ =	shalt  }
0x7b: {  	_ =	shalt  }
0x7c: {  	_ =	shalt  }
0x7d: {  	_ =	shalt  }
0x7e: {  	_ =	shalt  }
0x7f: {  	_ =	shalt  }
0x80: {  	_ =	shalt  }
0x81: {  	_ =	shalt  }
0x82: {  	_ =	shalt  }
0x83: {  	_ =	shalt  }
0x84: {  	_ =	shalt  }
0x85: {  	_ =	shalt  }
0x86: {  	_ =	shalt  }
0x87: {  	_ =	shalt  }
.Lfunc_end0:
.L_simem_size_0:
called_computation.1_lowered:
.L_overlay_start_0:
0x88: {  	s2 =	sld [smem:$0x3FD9]  }
0x89: {  	s3 =	sld [smem:$0x3FFE];
	_ =	sdelay $0x1  }
0x8a: {  	s1 =	srdreg.scid  }
0x8b: {  	s0 =	sand.u32 $0x1, s1  }
0x8c: {  	s17 =	sshll.u32 s0, $0xA;
	s2 =	sadd.s32 s3, s2  }
0x8d: {  	s2 =	sadd.s32 s2, s17  }
0x8e: {  	[smem:$0x3FC6] =	sst s2  }
0x8f: {  	_ = 	snop  }
0x90: {  	s2 =	sld [smem:$0x3FD0];
	(tm) =	ssettm $0x1  }
0x91: {  	s18 =	sld [smem:$0x3FFB];
	_ =	sdelay $0x3  }
0x92: {  	_ =	strace s18  }
0x93: {  	s3 =	sld [smem:$0x3FFC];
	_ =	sdelay $0x3  }
0x94: {  	_ =	strace s3  }
0x95: {  	s3 =	sld [smem:$0x3FFD];
	_ =	sdelay $0x3  }
0x96: {  	_ =	strace s3  }
0x97: {  	_ =	strace $0x8FFFFFFF  }
0x98: {  	s19 =	sld [smem:$0x3FDB];
	_ =	sdelay $0x1  }
0x99: {  	s4 =	simm.s32 $_scs_section_size  }
0x9a: {  	s5 =	simm.s32 $_size__tile_overlayer_lowered;
	s6 =	simm.s32 $_tile_overlayer_lowered  }
0x9b: {  	s22 =	simm.s32 $0x1BFF;
	s21 =	sshll.u32 s6, $0x1;
	s3 =	sadd.s32 s4, s19  }
0x9c: {  	s7 =	simm.s32 $0x0;
	s20 =	sshll.u32 s5, $0x1;
	s5 =	sadd.s32 s21, s3  }
0x9d: {  	[timem:s7], [sflag:s22] =	dma.local [hbm:s5], s20  }
0x9e: {  	_ =	swait.ge [sflag:s22], s20  }
0x9f: {  	s4 =	ssub.s32 $0x0, s20;
	[sflag:s22] =	ssyncset.done $0x0  }
0xa0: {  	[sflag:s22] =	ssyncadd.s32 s4;
	_ =	sdelay $0x1  }
0xa1: {  	s23 =	simm.s32 $0x1B8B  }
0xa2: {  	_ =	swait.ge [sflag:s23], $0x1  }
0xa3: {  	[sflag:s23] =	ssyncset.done $0x0  }
0xa4: {  	s25 =	simm.s32 $0x1B8E;
	s24 =	sld [smem:$0x3FFE];
	[sflag:s23] =	ssyncadd.s32 $0xFFFFFFFF  }
0xa5: {  	s26 =	simm.s32 $execute0_lowered;
	[smem:$0x3FD2] =	sst s25  }
0xa6: {  	s5 =	sshll.u32 s26, $0x1;
	_ =	strace $0x80000046;
	[dreg:$0x1] =	wrdreg $0xFFFFFFFF  }
0xa7: {  	s28 =	simm.s32 $_size_execute0_lowered;
	s3 =	sadd.s32 s3, s5;
	[dreg:$0x0] =	wrdreg $0x0  }
0xa8: {  	s5 =	sshll.u32 s28, $0x1;
	[dreg:$0x2] =	wrdreg s3  }
0xa9: {  	[dreg:$0x3] =	wrdreg s5  }
0xaa: {  	[dreg:$0x4] =	wrdreg $0xC0  }
0xab: {  	_ =	task [dreg:s7], $0x5FFFF  }
0xac: {  	[dreg:$0x1] =	wrdreg $0xFFFFFFFF  }
0xad: {  	[dreg:$0x0] =	wrdreg $0x60  }
0xae: {  	[dreg:$0x2] =	wrdreg s24  }
0xaf: {  	[dreg:$0x3] =	wrdreg s2  }
0xb0: {  	[dreg:$0x4] =	wrdreg $0x9  }
0xb1: {  	_ =	task.clear_ibuf [dreg:s7], $0x5FFFF;
	_ =	strace $0x90000046  }
0xb2: {  	s29 =	simm.s32 $0x9;
	_ =	strace $0x80000048  }
0xb3: {  	_ =	swait.ge [sflag:s29], $0x1  }
0xb4: {  	[sflag:s29] =	ssyncadd.s32 $0xFFFFFFFF  }
0xb5: {  	_ =	strace $0x90000048  }
0xb6: {  	_ =	sfence  }
0xb7: {  	s30 =	sld [smem:$0x0];
	_ =	sdelay $0x2  }
0xb8: {  	s31 =	sshll.u32 s1, $0xD;
	s1 =	sshrl.u32 s1, $0x2  }
0xb9: {  	s3 =	sand.u32 $0x4000, s31;
	s1 =	sadd.s32 s1, s30  }
0xba: {  	s0 =	sor.u32 s3, s0;
	s1 =	sshll.u32 s1, $0x11  }
0xbb: {  	s0 =	sor.u32 s1, s0  }
0xbc: {  	s0 =	sadd.s32 $0x8F2B, s0  }
0xbd: {  	[sflag:s0] =	ssyncadd.remote.s32 $0x1  }
0xbe: {  	_ =	sfence.sel $0xFFFF  }
0xbf: {  	[dreg:$0x0] =	wrdreg $0xFFFFFFFF;
	(pc) =	sbr.abs _section_cstart, $3  }
0xc0: {  	[dreg:$0x1] =	wrdreg $0xFFFFFFFF  }
0xc1: {  	_ =	task.clear_ibuf [dreg:s7], $0x2FFFF;
	_ =	strace $0x9FFFFFFF  }
0xc2: {  	(tm) =	ssettm $0x7FFFFFFF  }
0xc3: {  	_ =	shalt  }
tec
execute0_lowered:
.L_overlay_start_1:
0x0: {  	(tag) =	ssettag $0x1  }
0x1: {  	s0 =	rddreg [dreg:$0x0]  }
0x2: {  	s1 =	rddreg [dreg:$0x1]  }
0x3: {  	s2 =	srdreg.scid;
	s7 =	stileid.u32  }
0x4: {  	s9 =	simm.s32 $0x11;
	s10 =	simm.s32 $0x1900;
	s11 =	simm.s32 $0x3900  }
0x5: {  	s13 =	simm.s32 $0x5900;
	s15 =	simm.s32 $0x7900;
	s23 =	simm.s32 $0xF900  }
0x6: {  	s24 =	simm.s32 $0x1;
	s28 =	simm.s32 $0xB;
	s29 =	simm.s32 $0x3  }
0x7: {  	s30 =	simm.s32 $0x4;
	s31 =	simm.s32 $0x9;
	s8 =	simm.s32 $0xE  }
0x8: {  	s12 =	simm.s32 $0xF;
	s14 =	simm.s32 $0x10;
	s16 =	simm.s32 $0x0  }
0x9: {  	s4 =	sand.u32 $0x1, s2;
	s2 =	simm.s32 $0x0;
	s3 =	sshll.u32 s7, $0x5  }
0xa: {  	s7 =	sshll.u32 s7, $0xB;
	s5 =	sshll.u32 s4, $0x4;
	[smem:$0x7FF] =	sst s2  }
0xb: {  	s6 =	ssub.s32 $0x2, s4;
	s1 =	sadd.s32 s7, s1;
	s26 =	sshll.u32 s4, $0xA  }
.Ltmp0:
0xc: {  	s7 =	simm.s32 $0x80;
	s3 =	sor.u32 s5, s3;
	(pc) =	sbr.rel .LBB2_1-.Ltmp0, $4  }
0xd: {  	_ =	strace $0x80000047;
	s25 =	sshrl.u32 s6, $0x1;
	s18 =	sadd.s32 s26, s1  }
0xe: {  	s26 =	simm.s32 $0xA;
	s1 =	simm.s32 $0xD;
	s5 =	sadd.s32 s3, s0  }
0xf: {  	s3 =	sadd.s32 $0x6C00, s0;
	s0 =	ssub.s32 s6, s25;
	s25 =	simm.s32 $0x2  }
0x10: {  	s4 =	sadd.s32 $0x800, s5;
	s5 =	smax.u32 s0, $0x1;
	s0 =	simm.s32 $0xC  }
.LBB2_16:
0x11: {  	_ =	swait.ge [sflag:s31], $0x2000  }
0x12: {  	[sflag:s31] =	ssyncset.done $0x0  }
0x13: {  	[sflag:s31] =	ssyncadd.s32 $0xFFFFE000  }
0x14: {  	_ =	swait.ge [sflag:s26], $0x2000  }
0x15: {  	[sflag:s26] =	ssyncset.done $0x0  }
0x16: {  	[sflag:s26] =	ssyncadd.s32 $0xFFFFE000  }
0x17: {  	_ =	swait.ge [sflag:s28], $0x2000  }
0x18: {  	[sflag:s28] =	ssyncset.done $0x0  }
0x19: {  	[sflag:s28] =	ssyncadd.s32 $0xFFFFE000  }
0x1a: {  	_ =	swait.ge [sflag:s0], $0x2000  }
0x1b: {  	[sflag:s0] =	ssyncset.done $0x0  }
0x1c: {  	[sflag:s0] =	ssyncadd.s32 $0xFFFFE000  }
0x1d: {  	_ =	swait.ge [sflag:s1], $0x2000  }
0x1e: {  	[sflag:s1] =	ssyncset.done $0x0  }
0x1f: {  	[sflag:s1] =	ssyncadd.s32 $0xFFFFE000  }
0x20: {  	_ =	swait.ge [sflag:s8], $0x2000  }
0x21: {  	[sflag:s8] =	ssyncset.done $0x0  }
0x22: {  	s16 =	sadd.s32 $0x1, s16;
	[sflag:s8] =	ssyncadd.s32 $0xFFFFE000  }
0x23: {  	p0 =	sne.s32 s16, s5;
	_ =	swait.ge [sflag:s12], $0x2000  }
.Ltmp1:
0x24: {  	[sflag:s12] =	ssyncset.done $0x0;
	(pc) =	sbr.rel @!p0 .LBB2_17-.Ltmp1, $4  }
0x25: {  	[sflag:s12] =	ssyncadd.s32 $0xFFFFE000  }
0x26: {  	_ =	swait.ge [sflag:s14], $0x2000  }
0x27: {  	[sflag:s14] =	ssyncset.done $0x0  }
0x28: {  	[sflag:s14] =	ssyncadd.s32 $0xFFFFE000  }
.LBB2_1:
0x29: {  	s6 =	simm.s32 $0x1000  }
0x2a: {  	[tilespmem:s2], [sflag:$0x11] =	stream.strided.gather [hbm4b:s4+s7], $0x1900, s6, s7, $0x38;
	[tilespmem:$0x11900] =	vst v63  }
0x2b: {  	_ =	swait.ge [sflag:s9], $0x1900  }
0x2c: {  	[sflag:s9] =	ssyncset.done $0x0  }
0x2d: {  	[sflag:s9] =	ssyncadd.s32 $0xFFFFE700  }
0x2e: {  	[tilespmem:s10], [sflag:$0x1] =	stream.indirect.gather [hbm4b:s3+s7], $0x40, s2, s7, $0xb8;
	[tilespmem:$0x11900] =	vst v63  }
0x2f: {  	_ = 	snop  }
0x30: {  	[tilespmem:s11], [sflag:$0x2] =	stream.indirect.gather [hbm4b:s3+s7], $0x40, s7, s7, $0xb8;
	[tilespmem:$0x11900] =	vst v63  }
0x31: {  	s20 =	simm.s32 $0x100  }
0x32: {  	[tilespmem:s13], [sflag:$0x3] =	stream.indirect.gather [hbm4b:s3+s7], $0x40, s20, s7, $0xb8;
	[tilespmem:$0x11900] =	vst v63  }
0x33: {  	s21 =	simm.s32 $0x180  }
0x34: {  	[tilespmem:s15], [sflag:$0x4] =	stream.indirect.gather [hbm4b:s3+s7], $0x40, s21, s7, $0xb8;
	[tilespmem:$0x11900] =	vst v63  }
0x35: {  	s22 =	simm.s32 $0x200;
	s17 =	simm.s32 $0x9900  }
0x36: {  	[tilespmem:s17], [sflag:$0x5] =	stream.indirect.gather [hbm4b:s3+s7], $0x40, s22, s7, $0xb8;
	[tilespmem:$0x11900] =	vst v63  }
0x37: {  	s19 =	simm.s32 $0xB900;
	s17 =	simm.s32 $0x280  }
0x38: {  	[tilespmem:s19], [sflag:$0x6] =	stream.indirect.gather [hbm4b:s3+s7], $0x40, s17, s7, $0xb8;
	[tilespmem:$0x11900] =	vst v63  }
.Ltmp2:
0x39: {  	_ = 	snop;
	(pc) =	sbr.rel .LBB2_2-.Ltmp2, $4  }
0x3a: {  	s6 =	smov.u32 s18;
	s20 =	simm.s32 $0x300;
	s21 =	simm.s32 $0xD900  }
0x3b: {  	[tilespmem:s21], [sflag:$0x7] =	stream.indirect.gather [hbm4b:s3+s7], $0x40, s20, s7, $0xb8;
	[tilespmem:$0x11900] =	vst v63  }
0x3c: {  	s22 =	simm.s32 $0x380;
	s17 =	simm.s32 $0x400;
	s19 =	simm.s32 $0x0  }
0x3d: {  	[tilespmem:s23], [sflag:$0x8] =	stream.indirect.gather [hbm4b:s3+s7], $0x40, s22, s7, $0xb8;
	[tilespmem:$0x11900] =	vst v63  }
.LBB2_18:
0x3e: {  	p0 =	sgt.s32 s20, $0x5  }
0x3f: {  	p1 =	seq.s32 @p0 s20, $0x6  }
0x40: {  	p2 =	por !p1, !p0  }
0x41: {  	s21 =	simm.s32 @!p2 $0x7  }
0x42: {  	_ =	swait.ge @!p2 [sflag:s21], $0x2000  }
0x43: {  	[sflag:s21] =	ssyncset.done @!p2 $0x0  }
0x44: {  	s22 =	simm.s32 @!p2 $0xD900;
	[sflag:s21] =	ssyncadd.s32 @!p2 $0xFFFFE000;
	s21 =	simm.s32 @!p2 $0x0  }
0x45: {  	[hbm4b:s6+s21] =	stream.linear.scatter @!p2 [tilespmem:s22], [sflag:$0xF], $0x2000, $0x38;
	[tilespmem:$0x11900] =	vst v63  }
0x46: {  	p2 =	slt.u32 @!p2 s19, $0x2A  }
0x47: {  	p2 =	por @p0 !p2, !p1  }
0x48: {  	p2 =	por p2, !p0  }
0x49: {  	s21 =	simm.s32 @!p2 $0xF  }
0x4a: {  	_ =	swait.ge @!p2 [sflag:s21], $0x2000  }
0x4b: {  	[sflag:s21] =	ssyncset.done @!p2 $0x0  }
0x4c: {  	s22 =	simm.s32 @!p2 $0xD900;
	[sflag:s21] =	ssyncadd.s32 @!p2 $0xFFFFE000;
	s21 =	simm.s32 @!p2 $0x80  }
0x4d: {  	[tilespmem:s22], [sflag:$0x7] =	stream.indirect.gather @!p2 [hbm4b:s3+s21], $0x40, s17, s21, $0xb8;
	[tilespmem:$0x11900] =	vst v63  }
0x4e: {  	p2 =	por p1, !p0  }
0x4f: {  	s21 =	simm.s32 @!p2 $0x8  }
0x50: {  	_ =	swait.ge @!p2 [sflag:s21], $0x2000  }
0x51: {  	[sflag:s21] =	ssyncset.done @!p2 $0x0  }
0x52: {  	s22 =	simm.s32 @!p2 $0xF900;
	[sflag:s21] =	ssyncadd.s32 @!p2 $0xFFFFE000;
	s21 =	simm.s32 @!p2 $0x0  }
0x53: {  	[hbm4b:s6+s21] =	stream.linear.scatter @!p2 [tilespmem:s22], [sflag:$0x10], $0x2000, $0x38;
	[tilespmem:$0x11900] =	vst v63  }
0x54: {  	p2 =	slt.u32 @!p2 s19, $0x2A  }
0x55: {  	p1 =	por @p0 !p2, p1  }
0x56: {  	p1 =	por p1, !p0  }
0x57: {  	s21 =	simm.s32 @!p1 $0x10  }
0x58: {  	_ =	swait.ge @!p1 [sflag:s21], $0x2000  }
0x59: {  	[sflag:s21] =	ssyncset.done @!p1 $0x0  }
0x5a: {  	s22 =	simm.s32 @!p1 $0xF900;
	[sflag:s21] =	ssyncadd.s32 @!p1 $0xFFFFE000;
	s21 =	simm.s32 @!p1 $0x80  }
0x5b: {  	[tilespmem:s22], [sflag:$0x8] =	stream.indirect.gather @!p1 [hbm4b:s3+s21], $0x40, s17, s21, $0xb8;
	[tilespmem:$0x11900] =	vst v63  }
0x5c: {  	p1 =	seq.s32 @!p0 s20, $0x4  }
0x5d: {  	p2 =	por !p1, p0  }
0x5e: {  	s20 =	simm.s32 @!p2 $0x5  }
0x5f: {  	_ =	swait.ge @!p2 [sflag:s20], $0x2000  }
0x60: {  	[sflag:s20] =	ssyncset.done @!p2 $0x0  }
0x61: {  	s21 =	simm.s32 @!p2 $0x9900;
	[sflag:s20] =	ssyncadd.s32 @!p2 $0xFFFFE000;
	s20 =	simm.s32 @!p2 $0x0  }
0x62: {  	[hbm4b:s6+s20] =	stream.linear.scatter @!p2 [tilespmem:s21], [sflag:$0xD], $0x2000, $0x38;
	[tilespmem:$0x11900] =	vst v63  }
0x63: {  	p2 =	slt.u32 @!p2 s19, $0x2A  }
0x64: {  	p2 =	por @!p0 !p2, !p1  }
0x65: {  	p2 =	por p2, p0  }
0x66: {  	s20 =	simm.s32 @!p2 $0xD  }
0x67: {  	_ =	swait.ge @!p2 [sflag:s20], $0x2000  }
0x68: {  	[sflag:s20] =	ssyncset.done @!p2 $0x0  }
0x69: {  	s21 =	simm.s32 @!p2 $0x9900;
	[sflag:s20] =	ssyncadd.s32 @!p2 $0xFFFFE000;
	s20 =	simm.s32 @!p2 $0x80  }
0x6a: {  	[tilespmem:s21], [sflag:$0x5] =	stream.indirect.gather @!p2 [hbm4b:s3+s20], $0x40, s17, s20, $0xb8;
	[tilespmem:$0x11900] =	vst v63  }
0x6b: {  	p2 =	por p1, p0  }
0x6c: {  	s20 =	simm.s32 @!p2 $0x6  }
0x6d: {  	_ =	swait.ge @!p2 [sflag:s20], $0x2000  }
0x6e: {  	[sflag:s20] =	ssyncset.done @!p2 $0x0  }
0x6f: {  	s21 =	simm.s32 @!p2 $0xB900;
	[sflag:s20] =	ssyncadd.s32 @!p2 $0xFFFFE000;
	s20 =	simm.s32 @!p2 $0x0  }
0x70: {  	[hbm4b:s6+s20] =	stream.linear.scatter @!p2 [tilespmem:s21], [sflag:$0xE], $0x2000, $0x38;
	[tilespmem:$0x11900] =	vst v63  }
0x71: {  	p2 =	slt.u32 @!p2 s19, $0x2A  }
0x72: {  	p1 =	por @!p0 !p2, p1  }
0x73: {  	p0 =	por p1, p0  }
0x74: {  	s20 =	simm.s32 @!p0 $0xE  }
0x75: {  	_ =	swait.ge @!p0 [sflag:s20], $0x2000  }
0x76: {  	[sflag:s20] =	ssyncset.done @!p0 $0x0  }
0x77: {  	s21 =	simm.s32 @!p0 $0xB900;
	[sflag:s20] =	ssyncadd.s32 @!p0 $0xFFFFE000;
	s20 =	simm.s32 @!p0 $0x80  }
0x78: {  	[tilespmem:s21], [sflag:$0x6] =	stream.indirect.gather @!p0 [hbm4b:s3+s20], $0x40, s17, s20, $0xb8;
	[tilespmem:$0x11900] =	vst v63  }
.LBB2_15:
0x79: {  	s19 =	sadd.s32 $0x1, s19  }
0x7a: {  	p0 =	sne.s32 s19, $0x32  }
.Ltmp3:
0x7b: {  	_ = 	snop;
	(pc) =	sbr.rel @!p0 .LBB2_16-.Ltmp3, $2  }
0x7c: {  	_ =	sdelay $0x2  }
0x7d: {  	s17 =	sadd.s32 $0x80, s17;
	s6 =	sadd.s32 $0x8000, s6  }
.LBB2_2:
0x7e: {  	s20 =	sand.u32 $0x7, s19  }
0x7f: {  	p0 =	sgt.s32 s20, $0x3  }
.Ltmp4:
0x80: {  	_ = 	snop;
	(pc) =	sbr.rel @p0 .LBB2_18-.Ltmp4, $1  }
0x81: {  	_ =	sdelay $0x3  }
0x82: {  	p0 =	sgt.s32 s20, $0x1  }
.Ltmp5:
0x83: {  	_ = 	snop;
	(pc) =	sbr.rel @p0 .LBB2_11-.Ltmp5, $1  }
0x84: {  	_ =	sdelay $0x3  }
0x85: {  	p0 =	seq.s32 s20, $0x0  }
.Ltmp6:
0x86: {  	_ = 	snop;
	(pc) =	sbr.rel @!p0 .LBB2_5-.Ltmp6, $1  }
0x87: {  	_ =	sdelay $0x3  }
0x88: {  	_ =	swait.ge [sflag:s24], $0x2000  }
0x89: {  	[sflag:s24] =	ssyncset.done $0x0  }
0x8a: {  	p0 =	slt.u32 s19, $0x2A;
	[sflag:s24] =	ssyncadd.s32 $0xFFFFE000  }
0x8b: {  	[hbm4b:s6+s2] =	stream.linear.scatter [tilespmem:s10], [sflag:$0x9], $0x2000, $0x38;
	[tilespmem:$0x11900] =	vst v63  }
.Ltmp7:
0x8c: {  	s20 =	simm.s32 @p0 $0x9;
	(pc) =	sbr.rel .LBB2_15-.Ltmp7, $4  }
0x8d: {  	_ =	swait.ge @p0 [sflag:s20], $0x2000  }
0x8e: {  	[sflag:s20] =	ssyncset.done @p0 $0x0  }
0x8f: {  	s21 =	simm.s32 @p0 $0x1900;
	[sflag:s20] =	ssyncadd.s32 @p0 $0xFFFFE000;
	s20 =	simm.s32 @p0 $0x80  }
0x90: {  	[tilespmem:s21], [sflag:$0x1] =	stream.indirect.gather @p0 [hbm4b:s3+s20], $0x40, s17, s20, $0xb8;
	[tilespmem:$0x11900] =	vst v63  }
.LBB2_11:
0x91: {  	p0 =	seq.s32 s20, $0x2  }
.Ltmp8:
0x92: {  	_ = 	snop;
	(pc) =	sbr.rel @!p0 .LBB2_12-.Ltmp8, $1  }
0x93: {  	_ =	sdelay $0x3  }
.Ltmp9:
0x94: {  	(pc) =	sbr.rel .LBB2_7-.Ltmp9, $4  }
0x95: {  	_ =	swait.ge [sflag:s29], $0x2000  }
0x96: {  	[sflag:s29] =	ssyncset.done $0x0  }
0x97: {  	p1 =	por $0x0, $0x0;
	p0 =	por $0x1, $0x1;
	[sflag:s29] =	ssyncadd.s32 $0xFFFFE000  }
0x98: {  	[hbm4b:s6+s2] =	stream.linear.scatter [tilespmem:s13], [sflag:$0xB], $0x2000, $0x38;
	[tilespmem:$0x11900] =	vst v63  }
.LBB2_5:
0x99: {  	_ =	swait.ge [sflag:s25], $0x2000  }
0x9a: {  	[sflag:s25] =	ssyncset.done $0x0  }
0x9b: {  	p1 =	por $0x1, $0x1;
	p0 =	por $0x0, $0x0;
	[sflag:s25] =	ssyncadd.s32 $0xFFFFE000  }
0x9c: {  	[hbm4b:s6+s2] =	stream.linear.scatter [tilespmem:s11], [sflag:$0xA], $0x2000, $0x38;
	[tilespmem:$0x11900] =	vst v63  }
.LBB2_7:
0x9d: {  	p2 =	slt.u32 s19, $0x2A  }
.Ltmp10:
0x9e: {  	_ = 	snop;
	(pc) =	sbr.rel @!p2 .LBB2_15-.Ltmp10, $1  }
0x9f: {  	_ =	sdelay $0x3  }
.Ltmp11:
0xa0: {  	(pc) =	sbr.rel @!p1 .LBB2_13-.Ltmp11, $1  }
0xa1: {  	_ =	sdelay $0x3  }
.Ltmp12:
0xa2: {  	(pc) =	sbr.rel @p0 .LBB2_14-.Ltmp12, $4  }
.Ltmp13:
0xa3: {  	_ =	swait.ge [sflag:s26], $0x2000;
	(pc) =	sbr.rel @!p0 .LBB2_15-.Ltmp13, $4  }
0xa4: {  	[sflag:s26] =	ssyncset.done $0x0  }
0xa5: {  	[sflag:s26] =	ssyncadd.s32 $0xFFFFE000  }
0xa6: {  	[tilespmem:s11], [sflag:$0x2] =	stream.indirect.gather [hbm4b:s3+s7], $0x40, s17, s7, $0xb8;
	[tilespmem:$0x11900] =	vst v63  }
0xa7: {  	_ = 	snop  }
.LBB2_12:
0xa8: {  	_ =	swait.ge [sflag:s30], $0x2000  }
0xa9: {  	[sflag:s30] =	ssyncset.done $0x0  }
0xaa: {  	p0 =	slt.u32 s19, $0x2A;
	[sflag:s30] =	ssyncadd.s32 $0xFFFFE000  }
0xab: {  	[hbm4b:s6+s2] =	stream.linear.scatter [tilespmem:s15], [sflag:$0xC], $0x2000, $0x38;
	[tilespmem:$0x11900] =	vst v63  }
.Ltmp14:
0xac: {  	s20 =	simm.s32 @p0 $0xC;
	(pc) =	sbr.rel .LBB2_15-.Ltmp14, $4  }
0xad: {  	_ =	swait.ge @p0 [sflag:s20], $0x2000  }
0xae: {  	[sflag:s20] =	ssyncset.done @p0 $0x0  }
0xaf: {  	s21 =	simm.s32 @p0 $0x7900;
	[sflag:s20] =	ssyncadd.s32 @p0 $0xFFFFE000;
	s20 =	simm.s32 @p0 $0x80  }
0xb0: {  	[tilespmem:s21], [sflag:$0x4] =	stream.indirect.gather @p0 [hbm4b:s3+s20], $0x40, s17, s20, $0xb8;
	[tilespmem:$0x11900] =	vst v63  }
.LBB2_13:
.Ltmp15:
0xb1: {  	(pc) =	sbr.rel @!p0 .LBB2_15-.Ltmp15, $1  }
0xb2: {  	_ =	sdelay $0x3  }
.LBB2_14:
.Ltmp16:
0xb3: {  	(pc) =	sbr.rel .LBB2_15-.Ltmp16, $4  }
0xb4: {  	_ =	swait.ge [sflag:s28], $0x2000  }
0xb5: {  	[sflag:s28] =	ssyncset.done $0x0  }
0xb6: {  	[sflag:s28] =	ssyncadd.s32 $0xFFFFE000  }
0xb7: {  	[tilespmem:s13], [sflag:$0x3] =	stream.indirect.gather [hbm4b:s3+s7], $0x40, s17, s7, $0xb8;
	[tilespmem:$0x11900] =	vst v63  }
.LBB2_17:
0xb8: {  	_ =	sfence.sel $0x180000  }
0xb9: {  	[bflag:$0x0] =	sbarrier.arrive $0xFFFF  }
0xba: {  	_ =	strace $0x90000047  }
0xbb: {  	s0 =	stileid.u32;
	[bflag:$0x2] =	sbarrier.arrive $0xFFFF  }
0xbc: {  	p0 =	sne.s32 s0, $0x0;
	s0 =	rddreg [dreg:$0x2]  }
0xbd: {  	s0 =	sadd.s32 @!p0 $0x100000, s0  }
0xbe: {  	[sflag:s0] =	ssyncadd.tile.s32 @!p0 $0x1;
	_ =	shalt  }
.Lfunc_end2:
_tile_overlayer_lowered:
.L_overlay_start_2:
0xbf: {  	(tag) =	ssettag $0x2  }
0xc0: {  	s0 =	rddreg [dreg:$0x0];
	s2 =	stileid.u32  }
0xc1: {  	s1 =	rddreg [dreg:$0x1];
	p0 =	sne.s32 s2, $0x0  }
0xc2: {  	s3 =	rddreg [dreg:$0x2];
	[bflag:$0x3] =	sbarrier.arrive $0xFFFF;
	s2 =	simm.s32 @!p0 $0x1C11  }
0xc3: {  	[timem:s3], [sflag:s2] =	dma.local @!p0 [hbm:s0], s1  }
0xc4: {  	s0 =	simm.s32 @!p0 $0x11  }
0xc5: {  	_ =	swait.ge @!p0 [sflag:s0], s1  }
0xc6: {  	s1 =	ssub.s32 @!p0 $0x0, s1;
	[sflag:s0] =	ssyncset.done @!p0 $0x0  }
0xc7: {  	[sflag:s0] =	ssyncadd.s32 @!p0 s1  }
0xc8: {  	[bflag:$0x3] =	sbarrier.arrive $0xFFFF  }
0xc9: {  	_ =	shalt  }

// kernel: sparse-core-data-format-call.cloned.1.call-start
scs
called_computation_lowered:
.L_overlay_start_0:
0x0: {  	s2 =	sld [smem:$0x3FD9]  }
0x1: {  	s3 =	sld [smem:$0x3FFE];
	_ =	sdelay $0x1  }
0x2: {  	s1 =	srdreg.scid  }
0x3: {  	s0 =	sand.u32 $0x1, s1  }
0x4: {  	s18 =	sshll.u32 s0, $0xA;
	s2 =	sadd.s32 s3, s2  }
0x5: {  	s2 =	sadd.s32 s2, s18  }
0x6: {  	[smem:$0x3FC6] =	sst s2  }
0x7: {  	_ = 	snop  }
0x8: {  	s2 =	sld [smem:$0x3FD0];
	(tm) =	ssettm $0x1  }
0x9: {  	s19 =	sld [smem:$0x3FFB];
	_ =	sdelay $0x3  }
0xa: {  	_ =	strace s19  }
0xb: {  	s3 =	sld [smem:$0x3FFC];
	_ =	sdelay $0x3  }
0xc: {  	_ =	strace s3  }
0xd: {  	s3 =	sld [smem:$0x3FFD];
	_ =	sdelay $0x3  }
0xe: {  	_ =	strace s3  }
0xf: {  	_ =	strace $0x8FFFFFFF  }
0x10: {  	s20 =	sld [smem:$0x3FDB];
	_ =	sdelay $0x1  }
0x11: {  	s4 =	simm.s32 $_scs_section_size  }
0x12: {  	s5 =	simm.s32 $_size__tile_overlayer_lowered;
	s6 =	simm.s32 $_tile_overlayer_lowered  }
0x13: {  	s23 =	simm.s32 $0x1BFF;
	s22 =	sshll.u32 s6, $0x1;
	s3 =	sadd.s32 s4, s20  }
0x14: {  	s7 =	simm.s32 $0x0;
	s21 =	sshll.u32 s5, $0x1;
	s5 =	sadd.s32 s22, s3  }
0x15: {  	[timem:s7], [sflag:s23] =	dma.local [hbm:s5], s21  }
0x16: {  	_ =	swait.ge [sflag:s23], s21  }
0x17: {  	s4 =	ssub.s32 $0x0, s21;
	[sflag:s23] =	ssyncset.done $0x0  }
0x18: {  	[sflag:s23] =	ssyncadd.s32 s4;
	_ =	sdelay $0x1  }
0x19: {  	s24 =	simm.s32 $0x1B8B  }
0x1a: {  	_ =	swait.ge [sflag:s24], $0x1  }
0x1b: {  	[sflag:s24] =	ssyncset.done $0x0  }
0x1c: {  	s26 =	simm.s32 $0x1B8E;
	s25 =	sld [smem:$0x3FFE];
	[sflag:s24] =	ssyncadd.s32 $0xFFFFFFFF  }
0x1d: {  	s27 =	simm.s32 $execute0_lowered;
	[smem:$0x3FD2] =	sst s26  }
0x1e: {  	s5 =	sshll.u32 s27, $0x1;
	_ =	strace $0x80000049;
	[dreg:$0x1] =	wrdreg $0xFFFFFFFF  }
0x1f: {  	s28 =	simm.s32 $_size_execute0_lowered;
	s3 =	sadd.s32 s3, s5;
	[dreg:$0x0] =	wrdreg $0x0  }
0x20: {  	s5 =	sshll.u32 s28, $0x1;
	[dreg:$0x2] =	wrdreg s3  }
0x21: {  	[dreg:$0x3] =	wrdreg s5  }
0x22: {  	[dreg:$0x4] =	wrdreg $0xC0  }
0x23: {  	_ =	task [dreg:s7], $0x5FFFF  }
0x24: {  	[dreg:$0x1] =	wrdreg $0xFFFFFFFF  }
0x25: {  	[dreg:$0x0] =	wrdreg $0x60  }
0x26: {  	[dreg:$0x2] =	wrdreg s25  }
0x27: {  	[dreg:$0x3] =	wrdreg s2  }
0x28: {  	[dreg:$0x4] =	wrdreg $0x9  }
0x29: {  	_ =	task.clear_ibuf [dreg:s7], $0x5FFFF;
	_ =	strace $0x90000049  }
0x2a: {  	s29 =	simm.s32 $0x9;
	_ =	strace $0x8000004B  }
0x2b: {  	_ =	swait.ge [sflag:s29], $0x1  }
0x2c: {  	[sflag:s29] =	ssyncadd.s32 $0xFFFFFFFF  }
0x2d: {  	_ =	strace $0x9000004B  }
0x2e: {  	_ =	sfence  }
0x2f: {  	s30 =	sld [smem:$0x0];
	_ =	sdelay $0x2  }
0x30: {  	s31 =	sshll.u32 s1, $0xD;
	s1 =	sshrl.u32 s1, $0x2  }
0x31: {  	s3 =	sand.u32 $0x4000, s31;
	s1 =	sadd.s32 s1, s30  }
0x32: {  	s0 =	sor.u32 s3, s0;
	s1 =	sshll.u32 s1, $0x11  }
0x33: {  	s0 =	sor.u32 s1, s0  }
0x34: {  	s0 =	sadd.s32 $0x8F2B, s0  }
0x35: {  	[sflag:s0] =	ssyncadd.remote.s32 $0x1  }
0x36: {  	_ =	sfence.sel $0xFFFF  }
0x37: {  	[dreg:$0x0] =	wrdreg $0xFFFFFFFF;
	(pc) =	sbr.abs _section_cstart, $3  }
0x38: {  	[dreg:$0x1] =	wrdreg $0xFFFFFFFF  }
0x39: {  	_ =	task.clear_ibuf [dreg:s7], $0x2FFFF;
	_ =	strace $0x9FFFFFFF  }
0x3a: {  	(tm) =	ssettm $0x7FFFFFFF  }
0x3b: {  	_ =	shalt  }
tec
execute0_lowered:
.L_overlay_start_1:
0x0: {  	(tag) =	ssettag $0x1  }
0x1: {  	s0 =	srdreg.scid  }
0x2: {  	s1 =	sshll.u32 s0, $0x4  }
0x3: {  	s5 =	rddreg [dreg:$0x0];
	s0 =	stileid.u32;
	s1 =	sand.u32 $0x10, s1  }
0x4: {  	s3 =	rddreg [dreg:$0x1];
	s31 =	simm.s32 $0x2;
	s4 =	sor.u32 s0, s1  }
0x5: {  	s13 =	simm.s32 $0x0;
	s9 =	simm.s32 $0x400;
	s2 =	sshll.u32 s4, $0x7  }
0x6: {  	s10 =	simm.s32 $0x8000;
	s14 =	simm.s32 $0x0;
	s6 =	ssub.s32 $0x1000, s2  }
0x7: {  	s1 =	rddreg [dreg:$0x2];
	_ =	strace $0x8000004A;
	s7 =	sand.u32 $0xF80, s6  }
0x8: {  	s4 =	sshll.u32 s4, $0xB;
	p0 =	sne.s32 s7, $0x0;
	s7 =	simm.s32 $0x1  }
.Ltmp0:
0x9: {  	s6 =	sshrl.u32 s6, $0xC;
	s7 =	simm.s32 @!p0 $0x0;
	(pc) =	sbr.rel .LBB1_1-.Ltmp0, $4  }
0xa: {  	s8 =	sadd.s32 s4, s5;
	s4 =	simm.s32 $0x1;
	s30 =	sadd.s32 s7, s6  }
0xb: {  	s11 =	simm.s32 $0x0;
	[sflag:s4] =	ssyncpa.u1 $0x0;
	s5 =	smul.u32 $0x19, s30  }
0xc: {  	s12 =	simm.s32 $0x0;
	[sflag:s31] =	ssyncpa.u1 $0x0;
	p0 =	por $0x0, $0x0  }
0xd: {  	s6 =	sadd.s32 $0x800, s8;
	s7 =	sadd.s32 $0x10800, s8;
	s8 =	sadd.s32 $0x1, s5  }
.LBB1_7:
0xe: {  	s15 =	sadd.s32 $0x2, s11  }
0xf: {  	p2 =	sgt.s32 s15, $0x31  }
0x10: {  	s15 =	simm.s32 @p2 $0x0;
	p2 =	sne.s32 s12, s8  }
.Ltmp1:
0x11: {  	p1 =	slt.u32 s12, $0x2;
	(pc) =	sbr.rel @!p2 .LBB1_8-.Ltmp1, $4  }
0x12: {  	s13 =	simm.s32 @!p1 $0x2  }
0x13: {  	s16 =	sadd.s32 $0x1, s12;
	s14 =	smov.u32 s11;
	_ =	swait.ge @!p1 [sflag:s13], $0x4000  }
0x14: {  	p0 =	por !p0, !p0;
	s12 =	smov.u32 s16;
	[sflag:s13] =	ssyncset.done @!p1 $0x0  }
0x15: {  	s11 =	smov.u32 s15;
	[sflag:s13] =	ssyncadd.s32 @!p1 $0xFFFFC000;
	s13 =	smov.u32 s2  }
.LBB1_1:
0x16: {  	p1 =	sge.u32 s12, s5  }
0x17: {  	s15 =	sxor.u32 @!p1 $0xFFFFFFFF, s12  }
0x18: {  	s16 =	sshll.u32 @!p1 s11, $0x10;
	s18 =	simm.s32 @!p1 $0x40;
	s15 =	sshll.u32 @!p1 s15, $0xE  }
0x19: {  	s19 =	simm.s32 @!p1 $0x80;
	s17 =	sadd.s32 @!p1 s16, s6;
	s15 =	sand.u32 @!p1 $0x4000, s15  }
0x1a: {  	[tilespmem:s15], [sflag:$0x1] =	stream.strided.gather @!p1 [hbm4b:s17+s18], $0x2000, s19, s18, $0x38;
	[tilespmem:$0x10100] =	vst v63  }
0x1b: {  	s31 =	sadd.s32 $0xFFFFFFFF, s12;
	s16 =	sadd.s32 @!p1 s16, s7;
	s15 =	sor.u32 @!p1 $0x2000, s15  }
0x1c: {  	[tilespmem:s15], [sflag:$0x1] =	stream.strided.gather @!p1 [hbm4b:s16+s18], $0x2000, s19, s18, $0x38;
	[tilespmem:$0x10100] =	vst v63  }
0x1d: {  	p1 =	sge.u32 s31, s5  }
.Ltmp2:
0x1e: {  	_ = 	snop;
	(pc) =	sbr.rel @p1 .LBB1_7-.Ltmp2, $1  }
0x1f: {  	_ =	sdelay $0x3  }
0x20: {  	s15 =	simm.s32 $0x1;
	s17 =	sand.u32 $0x1, s12  }
0x21: {  	_ =	swait.ge [sflag:s4], $0x4000;
	s15 =	simm.s32 @!p0 $0x0;
	s17 =	smul.u32 $0x10200, s17  }
0x22: {  	p2 =	por $0x1, $0x1;
	[sflag:s4] =	ssyncset.done $0x0;
	s16 =	smul.u32 $0x10200, s15  }
0x23: {  	s18 =	sshll.u32 s15, $0x10;
	[sflag:s4] =	ssyncadd.s32 $0xFFFFC000;
	s30 =	sshrl.u32 s17, $0x2  }
0x24: {  	s31 =	sshrl.u32 s18, $0x2;
	s18 =	simm.s32 $0x0;
	s16 =	sshrl.u32 s16, $0x2  }
0x25: {  	s15 =	sor.u32 $0x8000, s30;
	s17 =	sadd.s32 $0x20, s31;
	s16 =	sor.u32 $0x8000, s16  }
.LBB1_3:
0x26: {  	s19 =	sshll.u32 s18, $0xD  }
0x27: {  	s19 =	sand.u32 $0x3FFFE000, s19  }
0x28: {  	s21 =	sadd.s32 s19, s17  }
0x29: {  	s31 =	smul.u32 $0x8100, s18;
	v3 =	vld [tilespmem:s21+$0x10]  }
0x2a: {  	v1 =	vld [tilespmem:s21+$0xFFFFFFF0]  }
0x2b: {  	s18 =	sshra.s32 s31, $0x2;
	v0 =	vld [tilespmem:s21+$0x0]  }
0x2c: {  	s18 =	sadd.s32 s18, s16;
	v2 =	vld [tilespmem:s21+$0xFFFFFFE0]  }
0x2d: {  	s19 =	sadd.s32 $0x0, s18  }
0x2e: {  	p1 =	por p2, p2;
	s20 =	simm.s32 $0x4;
	s21 =	sadd.s32 $0x40, s21;
	[tilespmem:s19+$0x1830 ss:$0x81] =	vst.msk $0xffff, v3  }
.LBB1_4:
0x2f: {  	v3 =	vld [tilespmem:s21+$0x10];
	p2 =	sne.s32 s20, $0x1FC;
	[tilespmem:s19+$0x810 ss:$0x81] =	vst.msk $0xffff, v1;
	s22 =	smov.u32 s20;
	s20 =	sadd.s32 $0x4, s20  }
.Ltmp3:
0x30: {  	v1 =	vld [tilespmem:s21+$0xFFFFFFF0];
	[tilespmem:s19+$0x1020 ss:$0x81] =	vst.msk $0xffff, v0;
	(pc) =	sbr.rel @p2 .LBB1_4-.Ltmp3, $4  }
0x31: {  	v0 =	vld [tilespmem:s21+$0x0];
	[tilespmem:s19+$0x0 ss:$0x81] =	vst.msk $0xffff, v2  }
0x32: {  	s19 =	sshra.s32 s22, $0x2;
	v2 =	vld [tilespmem:s21+$0xFFFFFFE0]  }
0x33: {  	s19 =	sadd.s32 s19, s18  }
0x34: {  	s21 =	sadd.s32 $0x40, s21;
	[tilespmem:s19+$0x1830 ss:$0x81] =	vst.msk $0xffff, v3  }
.Ltmp4:
0x35: {  	(pc) =	sbr.rel @p1 .LBB1_3-.Ltmp4, $4  }
0x36: {  	_ = 	snop  }
0x37: {  	[tilespmem:s19+$0x810 ss:$0x81] =	vst.msk $0xffff, v1  }
0x38: {  	[tilespmem:s19+$0x1020 ss:$0x81] =	vst.msk $0xffff, v0  }
0x39: {  	s18 =	simm.s32 $0x1;
	p2 =	por $0x0, $0x0;
	[tilespmem:s19+$0x0 ss:$0x81] =	vst.msk $0xffff, v2  }
.Ltmp5:
0x3a: {  	(pc) =	sbr.rel .LBB1_7-.Ltmp5, $4  }
0x3b: {  	s14 =	sshll.u32 s14, $0xF  }
0x3c: {  	s14 =	sadd.s32 s3, s14  }
0x3d: {  	s13 =	sadd.s32 s13, s14  }
0x3e: {  	[hbm4b:s13+s9] =	stream.strided.scatter [tilespmem:s15], [sflag:$0x2], $0x4000, s10, s9, $0x20;
	[tilespmem:$0x10100] =	vst v63  }
.LBB1_8:
0x3f: {  	_ =	sfence.sel $0x180000  }
0x40: {  	s2 =	simm.s32 $0x1;
	[bflag:$0x0] =	sbarrier.arrive $0xFFFF  }
0x41: {  	s31 =	simm.s32 $0x2;
	[sflag:s2] =	ssyncpa.u1 $0x1  }
0x42: {  	[sflag:s31] =	ssyncpa.u1 $0x1  }
0x43: {  	p0 =	sne.s32 s0, $0x0;
	_ =	strace $0x9000004A  }
0x44: {  	s0 =	sadd.s32 @!p0 $0x100000, s1;
	[bflag:$0x2] =	sbarrier.arrive $0xFFFF  }
0x45: {  	[sflag:s0] =	ssyncadd.tile.s32 @!p0 $0x1;
	_ =	shalt  }
.Lfunc_end1:
_tile_overlayer_lowered:
.L_overlay_start_2:
0x46: {  	(tag) =	ssettag $0x2  }
0x47: {  	s0 =	rddreg [dreg:$0x0];
	s2 =	stileid.u32  }
0x48: {  	s1 =	rddreg [dreg:$0x1];
	p0 =	sne.s32 s2, $0x0  }
0x49: {  	s3 =	rddreg [dreg:$0x2];
	[bflag:$0x3] =	sbarrier.arrive $0xFFFF;
	s2 =	simm.s32 @!p0 $0x1C01  }
0x4a: {  	[timem:s3], [sflag:s2] =	dma.local @!p0 [hbm:s0], s1  }
0x4b: {  	s0 =	simm.s32 @!p0 $0x1  }
0x4c: {  	_ =	swait.ge @!p0 [sflag:s0], s1  }
0x4d: {  	s1 =	ssub.s32 @!p0 $0x0, s1;
	[sflag:s0] =	ssyncset.done @!p0 $0x0  }
0x4e: {  	[sflag:s0] =	ssyncadd.s32 @!p0 s1  }
0x4f: {  	[bflag:$0x3] =	sbarrier.arrive $0xFFFF  }
0x50: {  	_ =	shalt  }

</sc_bundles>
